<compile_context>
chip_gen: v7x
topology: tpu7x:2x2x1
jax: 0.10.2.dev20260603
libtpu: 0.0.44.dev20260713+nightly
codegen_flags: <defaults>
</compile_context>

<pallas_src>
import functools

import jax
import jax.numpy as jnp
from jax import lax
from jax.experimental import pallas as pl
from jax.experimental.pallas import tpu as pltpu
from jax.experimental.pallas import tpu_sc as plsc

T = 2048
D_MODEL = 1024
MOE_FF = 512
SHARED_FF = 1024
N_EXPERTS = 8
B = 256
NT = 24
S = NT * B
NW = 32
ROWS_W = S // NW
TOK_W = T // NW


def _router_kernel(x_ref, gate_w_ref, meta_ref, cw_ref, meta2_ref):
    x = x_ref[...]
    logits = jnp.dot(x, gate_w_ref[...].T, preferred_element_type=jnp.float32)
    scores = jax.nn.softmax(logits, axis=-1)
    e_iota = lax.broadcasted_iota(jnp.int32, scores.shape, 1)
    w1 = jnp.max(scores, axis=-1, keepdims=True)
    a1 = jnp.argmax(scores, axis=-1)
    oh1 = (e_iota == a1[:, None])
    masked = jnp.where(oh1, -jnp.inf, scores)
    w2 = jnp.max(masked, axis=-1, keepdims=True)
    a2 = jnp.argmax(masked, axis=-1)
    oh2 = (e_iota == a2[:, None])
    denom = w1 + w2 + 1e-20
    c1 = (w1 / denom)[:, 0]
    c2 = (w2 / denom)[:, 0]

    oh = (oh1 | oh2).astype(jnp.bfloat16)
    ri = lax.broadcasted_iota(jnp.int32, (256, 256), 0)
    ci = lax.broadcasted_iota(jnp.int32, (256, 256), 1)
    ltri = (ri > ci).astype(jnp.bfloat16)
    carry = jnp.zeros((1, N_EXPERTS), dtype=jnp.float32)
    ranks = []
    for c in range(T // 256):
        oh_c = oh[c * 256:(c + 1) * 256]
        r_loc = jnp.dot(ltri, oh_c, preferred_element_type=jnp.float32)
        ranks.append(r_loc + carry)
        carry = carry + jnp.sum(oh_c.astype(jnp.float32), axis=0,
                                keepdims=True)
    ranks = jnp.concatenate(ranks, axis=0)
    counts = carry

    cnt_i = counts.astype(jnp.int32)
    padded = ((cnt_i + (B - 1)) >> 8) << 8
    tri8 = (lax.broadcasted_iota(jnp.int32, (8, 8), 0)
            <= lax.broadcasted_iota(jnp.int32, (8, 8), 1)).astype(jnp.float32)
    ends = jnp.dot(padded.astype(jnp.float32), tri8,
                   preferred_element_type=jnp.float32)
    offs = ends - padded.astype(jnp.float32)

    oh1f = oh1.astype(jnp.float32)
    oh2f = oh2.astype(jnp.float32)
    r1 = jnp.sum(ranks * oh1f, axis=1)
    r2 = jnp.sum(ranks * oh2f, axis=1)
    p1 = (r1 + jnp.sum(offs * oh1f, axis=1)).astype(jnp.int32)
    p2 = (r2 + jnp.sum(offs * oh2f, axis=1)).astype(jnp.int32)

    lane = lax.broadcasted_iota(jnp.int32, (T, 128), 1)
    meta_ref[...] = jnp.where(lane == 0, p1[:, None],
                              jnp.where(lane == 1, p2[:, None], 0))
    cw_ref[...] = jnp.where(lane == 0, c1[:, None],
                            jnp.where(lane == 1, c2[:, None], 0.0))

    lane8 = lax.broadcasted_iota(jnp.int32, (1, N_EXPERTS), 1)
    starts = lax.broadcasted_iota(jnp.int32, (1, 128), 1).astype(jnp.float32) * B
    te = jnp.zeros((1, 128), dtype=jnp.int32)
    for e in range(N_EXPERTS):
        end_e = jnp.sum(ends * (lane8 == e).astype(jnp.float32), axis=1,
                        keepdims=True)
        te = te + (starts >= end_e).astype(jnp.int32)
    te = jnp.minimum(te, N_EXPERTS - 1)
    nact = (jnp.sum(ends * (lane8 == N_EXPERTS - 1).astype(jnp.float32),
                    axis=1, keepdims=True) / B).astype(jnp.int32)
    row = lax.broadcasted_iota(jnp.int32, (8, 128), 0)
    meta2_ref[...] = jnp.where(row == 0, te, jnp.where(row == 1, nact, 0))


def _router(x, gate_w):
    return pl.pallas_call(
        _router_kernel,
        out_shape=(
            jax.ShapeDtypeStruct((T, 128), jnp.int32),
            jax.ShapeDtypeStruct((T, 128), jnp.float32),
            jax.ShapeDtypeStruct((8, 128), jnp.int32),
        ),
        compiler_params=pltpu.CompilerParams(
            vmem_limit_bytes=100 * 1024 * 1024,
        ),
    )(x, gate_w)


def _shared_combine_kernel(x_ref, wsg_ref, wsu_ref, wsd_ref,
                           cw_ref, og1_ref, og2_ref, y_ref):
    xb = x_ref[...].astype(jnp.bfloat16)
    gs = jnp.dot(xb, wsg_ref[...].T, preferred_element_type=jnp.float32)
    us = jnp.dot(xb, wsu_ref[...].T, preferred_element_type=jnp.float32)
    hs = (jax.nn.silu(gs) * us).astype(jnp.bfloat16)
    shared = jnp.dot(hs, wsd_ref[...].T, preferred_element_type=jnp.float32)
    c1 = cw_ref[:, 0:1]
    c2 = cw_ref[:, 1:2]
    y_ref[...] = og1_ref[...] * c1 + og2_ref[...] * c2 + shared


def _shared_combine(x, wsg, wsu, wsd, cw, og1, og2):
    tt = T // 4
    return pl.pallas_call(
        _shared_combine_kernel,
        grid=(4,),
        in_specs=[
            pl.BlockSpec((tt, D_MODEL), lambda i: (i, 0)),
            pl.BlockSpec((SHARED_FF, D_MODEL), lambda i: (0, 0)),
            pl.BlockSpec((SHARED_FF, D_MODEL), lambda i: (0, 0)),
            pl.BlockSpec((D_MODEL, SHARED_FF), lambda i: (0, 0)),
            pl.BlockSpec((tt, 128), lambda i: (i, 0)),
            pl.BlockSpec((tt, D_MODEL), lambda i: (i, 0)),
            pl.BlockSpec((tt, D_MODEL), lambda i: (i, 0)),
        ],
        out_specs=pl.BlockSpec((tt, D_MODEL), lambda i: (i, 0)),
        out_shape=jax.ShapeDtypeStruct((T, D_MODEL), jnp.float32),
    )(x, wsg, wsu, wsd, cw, og1, og2)


@functools.lru_cache(maxsize=None)
def _sc_mesh():
    return plsc.VectorSubcoreMesh(core_axis_name="c", subcore_axis_name="s")


def _sc_dispatch_body(p1_hbm, p2_hbm, fill_hbm, sarr_hbm, x_hbm, xs_hbm,
                      p1_v, p2_v, src_t, src_v, idx_v, rows_v, nact_v, sem):
    cid = lax.axis_index("c")
    sid = lax.axis_index("s")
    wid = sid * 2 + cid
    pltpu.sync_copy(sarr_hbm.at[pl.ds(32, 16)], nact_v)
    n_slots = lax.reduce_max(nact_v[...], axes=(0,)) * B

    @pl.when(sid == 0)
    def _():
        pltpu.sync_copy(p1_hbm, p1_v)
        pltpu.sync_copy(p2_hbm, p2_v)
        pltpu.sync_copy(fill_hbm, src_t)

        def body(j, carry):
            toks = lax.iota(jnp.int32, 16) + j * 16
            idx1 = p1_v[pl.ds(j * 16, 16)]
            plsc.store_scatter(src_t, [idx1], toks)
            idx2 = p2_v[pl.ds(j * 16, 16)]
            plsc.store_scatter(src_t, [idx2], toks)
            return carry

        lax.fori_loop(0, T // 16, body, 0)
        pltpu.sync_copy(src_t, src_v)

    plsc.subcore_barrier()

    for ch in range(ROWS_W // 96):
        base = wid * ROWS_W + ch * 96

        @pl.when(base < n_slots)
        def _():
            pltpu.sync_copy(src_v.at[pl.ds(base, 96)], idx_v)
            pltpu.async_copy(x_hbm.at[idx_v], rows_v, sem).wait()
            pltpu.sync_copy(rows_v, xs_hbm.at[pl.ds(base, 96)])


def _sc_dispatch(p1, p2, fill, sarr, x):
    k = functools.partial(
        pl.kernel, mesh=_sc_mesh(),
        out_type=jax.ShapeDtypeStruct((S, D_MODEL), jnp.float32),
        scratch_types=[
            pltpu.VMEM((T,), jnp.int32),
            pltpu.VMEM((T,), jnp.int32),
            pltpu.VMEM((S,), jnp.int32),
            pltpu.VMEM_SHARED((S,), jnp.int32),
            pltpu.VMEM((96,), jnp.int32),
            pltpu.VMEM((96, D_MODEL), jnp.float32),
            pltpu.VMEM((16,), jnp.int32),
            pltpu.SemaphoreType.DMA,
        ],
        compiler_params=pltpu.CompilerParams(needs_layout_passes=False),
    )(_sc_dispatch_body)
    return k(p1, p2, fill, sarr, x)


def _ffn_kernel(sarr_ref, xs_ref, wg_ref, wu_ref, wd_ref, o_ref):
    i = pl.program_id(0)
    nact = sarr_ref[32]

    @pl.when(i < nact)
    def _():
        xb = xs_ref[...].astype(jnp.bfloat16)
        g = jnp.dot(xb, wg_ref[0].T, preferred_element_type=jnp.float32)
        u = jnp.dot(xb, wu_ref[0].T, preferred_element_type=jnp.float32)
        h = (jax.nn.silu(g) * u).astype(jnp.bfloat16)
        o_ref[...] = jnp.dot(h, wd_ref[0].T,
                             preferred_element_type=jnp.float32)


def _ffn(sarr, xs, wg, wu, wd):
    spec = pltpu.PrefetchScalarGridSpec(
        num_scalar_prefetch=1,
        grid=(NT,),
        in_specs=[
            pl.BlockSpec((B, D_MODEL), lambda i, s: (i, 0)),
            pl.BlockSpec((1, MOE_FF, D_MODEL), lambda i, s: (s[i], 0, 0)),
            pl.BlockSpec((1, MOE_FF, D_MODEL), lambda i, s: (s[i], 0, 0)),
            pl.BlockSpec((1, D_MODEL, MOE_FF), lambda i, s: (s[i], 0, 0)),
        ],
        out_specs=pl.BlockSpec((B, D_MODEL), lambda i, s: (i, 0)),
    )
    return pl.pallas_call(
        _ffn_kernel,
        grid_spec=spec,
        out_shape=jax.ShapeDtypeStruct((S, D_MODEL), jnp.float32),
    )(sarr, xs, wg, wu, wd)


def _sc_gather_o_body(p1_hbm, p2_hbm, o_hbm, og1_hbm, og2_hbm, idx_v, rows_v,
                      sem):
    cid = lax.axis_index("c")
    sid = lax.axis_index("s")
    wid = sid * 2 + cid
    base = wid * TOK_W
    pltpu.sync_copy(p1_hbm.at[pl.ds(base, TOK_W)], idx_v)
    pltpu.async_copy(o_hbm.at[idx_v], rows_v, sem).wait()
    pltpu.sync_copy(rows_v, og1_hbm.at[pl.ds(base, TOK_W)])
    pltpu.sync_copy(p2_hbm.at[pl.ds(base, TOK_W)], idx_v)
    pltpu.async_copy(o_hbm.at[idx_v], rows_v, sem).wait()
    pltpu.sync_copy(rows_v, og2_hbm.at[pl.ds(base, TOK_W)])


def _sc_gather_o(p1, p2, o):
    k = functools.partial(
        pl.kernel, mesh=_sc_mesh(),
        out_type=(jax.ShapeDtypeStruct((T, D_MODEL), jnp.float32),
                  jax.ShapeDtypeStruct((T, D_MODEL), jnp.float32)),
        scratch_types=[
            pltpu.VMEM((TOK_W,), jnp.int32),
            pltpu.VMEM((TOK_W, D_MODEL), jnp.float32),
            pltpu.SemaphoreType.DMA,
        ],
    )(_sc_gather_o_body)
    return k(p1, p2, o)


@functools.partial(jax.jit, static_argnames=())
def kernel(hidden_states, gate_w, w_gate, w_up, w_down, ws_gate, ws_up, ws_down):
    orig_shape = hidden_states.shape
    x = hidden_states.reshape(-1, orig_shape[-1])

    wg = w_gate.astype(jnp.bfloat16)
    wu = w_up.astype(jnp.bfloat16)
    wd = w_down.astype(jnp.bfloat16)
    wsg = ws_gate.astype(jnp.bfloat16)
    wsu = ws_up.astype(jnp.bfloat16)
    wsd = ws_down.astype(jnp.bfloat16)

    meta, cw, meta2 = _router(x, gate_w)
    p1 = meta[:, 0]
    p2 = meta[:, 1]
    sarr = jnp.concatenate([meta2[0, :32], meta2[1, :32]])

    pad_fill = jnp.arange(S, dtype=jnp.int32) % T
    xs = _sc_dispatch(p1, p2, pad_fill, sarr, x)
    o = _ffn(sarr, xs, wg, wu, wd)
    og1, og2 = _sc_gather_o(p1, p2, o)
    y = _shared_combine(x, wsg, wsu, wsd, cw, og1, og2)
    return y.reshape(orig_shape)

# --- scband reference (transcript-rebuilt; emitter-appended) ---
"""Pipeline reference for scband-flash-deepseek-layer-2585570312830 (READ-ONLY COPY).

The authoritative reference and input builder live on the scoring server;
editing this copy changes nothing except your own understanding.
"""

import jax, jax.numpy as jnp
import numpy as np

D_MODEL = 1024
MOE_FF = 512
SHARED_FF = 1024  # moe_intermediate_size * n_shared_experts
N_EXPERTS = 8
TOP_K = 2
TOKENS = 2048


def setup_inputs(seed: int = 0) -> dict:
    key = jax.random.key(seed)
    ks = jax.random.split(key, 8)
    hidden_states = jax.random.normal(ks[0], (TOKENS, D_MODEL), dtype=jnp.float32)
    gate_w = jax.random.normal(ks[1], (N_EXPERTS, D_MODEL), dtype=jnp.float32) * 0.02
    w_gate = jax.random.normal(ks[2], (N_EXPERTS, MOE_FF, D_MODEL), dtype=jnp.float32) * 0.02
    w_up = jax.random.normal(ks[3], (N_EXPERTS, MOE_FF, D_MODEL), dtype=jnp.float32) * 0.02
    w_down = jax.random.normal(ks[4], (N_EXPERTS, D_MODEL, MOE_FF), dtype=jnp.float32) * 0.02
    ws_gate = jax.random.normal(ks[5], (SHARED_FF, D_MODEL), dtype=jnp.float32) * 0.02
    ws_up = jax.random.normal(ks[6], (SHARED_FF, D_MODEL), dtype=jnp.float32) * 0.02
    ws_down = jax.random.normal(ks[7], (D_MODEL, SHARED_FF), dtype=jnp.float32) * 0.02
    return {
        "hidden_states": hidden_states,
        "gate_w": gate_w,
        "w_gate": w_gate,
        "w_up": w_up,
        "w_down": w_down,
        "ws_gate": ws_gate,
        "ws_up": ws_up,
        "ws_down": ws_down,
    }


def reference(hidden_states, gate_w, w_gate, w_up, w_down, ws_gate, ws_up, ws_down):
    identity = hidden_states
    orig_shape = hidden_states.shape
    x = hidden_states.reshape(-1, orig_shape[-1])
    T = x.shape[0]

    # --- gate: softmax router + top-k (DeepseekMoEGate, softmax scoring) ---
    logits = x @ gate_w.T                       # [T, E]
    scores = jax.nn.softmax(logits, axis=-1)
    topk_weight, topk_idx = jax.lax.top_k(scores, TOP_K)   # [T, k]
    # norm_topk_prob: renormalize selected weights
    topk_weight = topk_weight / (jnp.sum(topk_weight, axis=-1, keepdims=True) + 1e-20)

    # --- moe_infer: scatter top-k weights into dense combine matrix,
    #     apply each routed expert (silu(gate)*up -> down), weighted-sum ---
    combine = jnp.zeros((T, N_EXPERTS), dtype=x.dtype)
    combine = combine.at[jnp.arange(T)[:, None], topk_idx].add(topk_weight)

    g = jnp.einsum('td,efd->tef', x, w_gate)    # [T, E, ff]
    u = jnp.einsum('td,efd->tef', x, w_up)
    h = jax.nn.silu(g) * u
    expert_out = jnp.einsum('tef,edf->ted', h, w_down)      # [T, E, d]
    y = jnp.einsum('te,ted->td', combine, expert_out)       # [T, d]

    # --- shared experts MLP on identity ---
    gs = identity.reshape(-1, orig_shape[-1]) @ ws_gate.T
    us = identity.reshape(-1, orig_shape[-1]) @ ws_up.T
    shared = (jax.nn.silu(gs) * us) @ ws_down.T

    y = y.reshape(orig_shape) + shared.reshape(orig_shape)
    return y

if __name__ == "__main__":
    import jax
    _d = setup_inputs()
    print(jax.jit(kernel)(*tuple(_d.values())))

</pallas_src>

<mosaic_0001>
#map = affine_map<(d0, d1) -> (0)>
#map1 = affine_map<(d0, d1) -> (0, 0)>
module attributes {stable_mosaic.version = 14 : i64} {
  func.func @_sc_dispatch_body(%arg0: i32, %arg1: i32, %arg2: memref<2048xi32, #tpu.memory_space<hbm>>, %arg3: memref<2048xi32, #tpu.memory_space<hbm>>, %arg4: memref<6144xi32, #tpu.memory_space<hbm>>, %arg5: memref<64xi32, #tpu.memory_space<hbm>>, %arg6: memref<2048x1024xf32, #tpu.memory_space<hbm>>, %arg7: memref<6144x1024xf32, #tpu.memory_space<hbm>>, %arg8: memref<2048xi32, #tpu.memory_space<vmem>>, %arg9: memref<2048xi32, #tpu.memory_space<vmem>>, %arg10: memref<6144xi32, #tpu.memory_space<vmem>>, %arg11: memref<6144xi32, #tpu.memory_space<vmem_shared>>, %arg12: memref<96xi32, #tpu.memory_space<vmem>>, %arg13: memref<96x1024xf32, #tpu.memory_space<vmem>>, %arg14: memref<16xi32, #tpu.memory_space<vmem>>, %arg15: memref<!tpu.dma_semaphore, #tpu.memory_space<semaphore_mem>>) attributes {dimension_semantics = [#tpu.dimension_semantics<core_parallel>, #tpu.dimension_semantics<subcore_parallel>], iteration_bounds = array<i64: 2, 16>, scalar_prefetch = 0 : i64, scratch_operands = 8 : i64, tpu.core_type = #tpu.core_type<sc_vector_subcore>, window_params = [{transform_indices = #map}, {transform_indices = #map}, {transform_indices = #map}, {transform_indices = #map}, {transform_indices = #map1}, {transform_indices = #map1}]} {
    %mul3A = arith.constant 2 : i32
    %mul3A_0 = arith.muli %arg1, %mul3A : i32
    %add3A = arith.addi %mul3A_0, %arg0 : i32
    "tpu.region"() ({
      %run_scoped3A = tpu.sem_alloc : memref<!tpu.dma_semaphore, #tpu.memory_space<semaphore_mem>>
      %dma_start3A = arith.constant 32 : i32
      %dma_start3A_28 = tpu.memref_slice %arg5[%dma_start3A] : memref<64xi32, #tpu.memory_space<hbm>> -> memref<16xi32, #tpu.memory_space<hbm>>
      %dma_start3A_29 = arith.constant 32 : i32
      %dma_start3A_30 = tpu.memref_slice %arg5[%dma_start3A_29] : memref<64xi32, #tpu.memory_space<hbm>> -> memref<16xi32, #tpu.memory_space<hbm>>
      tpu.enqueue_dma source(%dma_start3A_30 : memref<16xi32, #tpu.memory_space<hbm>>) target(%arg14 : memref<16xi32, #tpu.memory_space<vmem>>) target_semaphore(%run_scoped3A : memref<!tpu.dma_semaphore, #tpu.memory_space<semaphore_mem>>)
      %dma_wait3A = arith.constant 32 : i32
      %dma_wait3A_31 = tpu.memref_slice %arg5[%dma_wait3A] : memref<64xi32, #tpu.memory_space<hbm>> -> memref<16xi32, #tpu.memory_space<hbm>>
      %dma_wait3A_32 = arith.constant 32 : i32
      %dma_wait3A_33 = tpu.memref_slice %arg5[%dma_wait3A_32] : memref<64xi32, #tpu.memory_space<hbm>> -> memref<16xi32, #tpu.memory_space<hbm>>
      tpu.wait_dma2 semaphore(%run_scoped3A : memref<!tpu.dma_semaphore, #tpu.memory_space<semaphore_mem>>) src(%dma_wait3A_33 : memref<16xi32, #tpu.memory_space<hbm>>) dst(%arg14 : memref<16xi32, #tpu.memory_space<vmem>>)
      tpu.yield
    }) : () -> ()
    %get3A = arith.constant 0 : index
    %get3A_1 = tpu.vector_load %arg14[%get3A] {strides = array<i32>} : memref<16xi32, #tpu.memory_space<vmem>>, vector<16xi32>,
    %reduce_max3A = arith.constant true
    %reduce_max3A_2 = vector.broadcast %reduce_max3A : i1 to vector<16xi1>
    %reduce_max3A_3 = arith.constant -2147483648 : i32
    %reduce_max3A_4 = vector.broadcast %reduce_max3A_3 : i32 to vector<16xi32>
    %reduce_max3A_5 = arith.xori %get3A_1, %reduce_max3A_4 : vector<16xi32>
    %reduce_max3A_6 = tpu.scan <max>, %reduce_max3A_5 masked %reduce_max3A_2 : vector<16xi32>, vector<16xi1> -> vector<16xi32>
    %reduce_max3A_7 = arith.xori %reduce_max3A_6, %reduce_max3A_4 : vector<16xi32>
    %reduce_max3A_8 = vector.extract %reduce_max3A_7[15] : i32 from vector<16xi32>
    %mul3A_9 = arith.constant 256 : i32
    %mul3A_10 = arith.muli %reduce_max3A_8, %mul3A_9 : i32
    %eq3A = arith.constant 0 : i32
    %eq3A_11 = arith.cmpi eq, %arg1, %eq3A : i32
    %convert_element_type3A = arith.extui %eq3A_11 : i1 to i32
    %cond3A = arith.constant 0 : i32
    %cond3A_12 = arith.cmpi ne, %convert_element_type3A, %cond3A : i32
    scf.if %cond3A_12 {
      "tpu.region"() ({
        %run_scoped3A = tpu.sem_alloc : memref<!tpu.dma_semaphore, #tpu.memory_space<semaphore_mem>>
        tpu.enqueue_dma source(%arg2 : memref<2048xi32, #tpu.memory_space<hbm>>) target(%arg8 : memref<2048xi32, #tpu.memory_space<vmem>>) target_semaphore(%run_scoped3A : memref<!tpu.dma_semaphore, #tpu.memory_space<semaphore_mem>>)
        tpu.wait_dma2 semaphore(%run_scoped3A : memref<!tpu.dma_semaphore, #tpu.memory_space<semaphore_mem>>) src(%arg2 : memref<2048xi32, #tpu.memory_space<hbm>>) dst(%arg8 : memref<2048xi32, #tpu.memory_space<vmem>>)
        tpu.yield
      }) : () -> ()
      "tpu.region"() ({
        %run_scoped3A = tpu.sem_alloc : memref<!tpu.dma_semaphore, #tpu.memory_space<semaphore_mem>>
        tpu.enqueue_dma source(%arg3 : memref<2048xi32, #tpu.memory_space<hbm>>) target(%arg9 : memref<2048xi32, #tpu.memory_space<vmem>>) target_semaphore(%run_scoped3A : memref<!tpu.dma_semaphore, #tpu.memory_space<semaphore_mem>>)
        tpu.wait_dma2 semaphore(%run_scoped3A : memref<!tpu.dma_semaphore, #tpu.memory_space<semaphore_mem>>) src(%arg3 : memref<2048xi32, #tpu.memory_space<hbm>>) dst(%arg9 : memref<2048xi32, #tpu.memory_space<vmem>>)
        tpu.yield
      }) : () -> ()
      "tpu.region"() ({
        %run_scoped3A = tpu.sem_alloc : memref<!tpu.dma_semaphore, #tpu.memory_space<semaphore_mem>>
        tpu.enqueue_dma source(%arg4 : memref<6144xi32, #tpu.memory_space<hbm>>) target(%arg10 : memref<6144xi32, #tpu.memory_space<vmem>>) target_semaphore(%run_scoped3A : memref<!tpu.dma_semaphore, #tpu.memory_space<semaphore_mem>>)
        tpu.wait_dma2 semaphore(%run_scoped3A : memref<!tpu.dma_semaphore, #tpu.memory_space<semaphore_mem>>) src(%arg4 : memref<6144xi32, #tpu.memory_space<hbm>>) dst(%arg10 : memref<6144xi32, #tpu.memory_space<vmem>>)
        tpu.yield
      }) : () -> ()
      %scan3A = arith.constant 0 : i32
      %scan3A_28 = arith.constant 0 : i32
      %scan3A_29 = arith.constant 128 : i32
      %scan3A_30 = arith.addi %scan3A_28, %scan3A_29 : i32
      %scan3A_31 = arith.constant 1 : i32
      scf.for %scan3A_33 = %scan3A_28 to %scan3A_30 step %scan3A_31  : i32 {
        %iota3A = tpu.iota {dimensions = array<i32: 0>} : vector<16xi32>
        %mul3A_34 = arith.constant 16 : i32
        %mul3A_35 = arith.muli %scan3A_33, %mul3A_34 : i32
        %add3A_36 = vector.broadcast %mul3A_35 : i32 to vector<16xi32>
        %add3A_37 = arith.addi %iota3A, %add3A_36 : vector<16xi32>
        %mul3A_38 = arith.constant 16 : i32
        %mul3A_39 = arith.muli %scan3A_33, %mul3A_38 : i32
        %get3A_40 = arith.index_cast %mul3A_39 : i32 to index
        %get3A_41 = tpu.vector_load %arg8[%get3A_40] {strides = array<i32>} : memref<2048xi32, #tpu.memory_space<vmem>>, vector<16xi32>,
        tpu.vector_store_idx %arg10[%get3A_41], %add3A_37 : memref<6144xi32, #tpu.memory_space<vmem>>[vector<16xi32>], vector<16xi32>,
        %mul3A_42 = arith.constant 16 : i32
        %mul3A_43 = arith.muli %scan3A_33, %mul3A_42 : i32
        %get3A_44 = arith.index_cast %mul3A_43 : i32 to index
        %get3A_45 = tpu.vector_load %arg9[%get3A_44] {strides = array<i32>} : memref<2048xi32, #tpu.memory_space<vmem>>, vector<16xi32>,
        tpu.vector_store_idx %arg10[%get3A_45], %add3A_37 : memref<6144xi32, #tpu.memory_space<vmem>>[vector<16xi32>], vector<16xi32>,
      }
      %scan3A_32 = arith.constant 128 : i32
      "tpu.region"() ({
        %run_scoped3A = tpu.sem_alloc : memref<!tpu.dma_semaphore, #tpu.memory_space<semaphore_mem>>
        tpu.enqueue_dma source(%arg10 : memref<6144xi32, #tpu.memory_space<vmem>>) target(%arg11 : memref<6144xi32, #tpu.memory_space<vmem_shared>>) target_semaphore(%run_scoped3A : memref<!tpu.dma_semaphore, #tpu.memory_space<semaphore_mem>>)
        tpu.wait_dma2 semaphore(%run_scoped3A : memref<!tpu.dma_semaphore, #tpu.memory_space<semaphore_mem>>) src(%arg10 : memref<6144xi32, #tpu.memory_space<vmem>>) dst(%arg11 : memref<6144xi32, #tpu.memory_space<vmem_shared>>)
        tpu.yield
      }) : () -> ()
    } else {
    }
    %barrier3A = arith.constant 0 : index
    tpu.barrier barrier_id(%barrier3A)
    %mul3A_13 = arith.constant 192 : i32
    %mul3A_14 = arith.muli %add3A, %mul3A_13 : i32
    %add3A_15 = arith.constant 0 : i32
    %add3A_16 = arith.addi %mul3A_14, %add3A_15 : i32
    %lt3A = arith.cmpi slt, %add3A_16, %mul3A_10 : i32
    %convert_element_type3A_17 = arith.extui %lt3A : i1 to i32
    %cond3A_18 = arith.constant 0 : i32
    %cond3A_19 = arith.cmpi ne, %convert_element_type3A_17, %cond3A_18 : i32
    scf.if %cond3A_19 {
      "tpu.region"() ({
        %run_scoped3A = tpu.sem_alloc : memref<!tpu.dma_semaphore, #tpu.memory_space<semaphore_mem>>
        %dma_start3A_32 = tpu.memref_slice %arg11[%add3A_16] : memref<6144xi32, #tpu.memory_space<vmem_shared>> -> memref<96xi32, #tpu.memory_space<vmem_shared>>
        %dma_start3A_33 = tpu.memref_slice %arg11[%add3A_16] : memref<6144xi32, #tpu.memory_space<vmem_shared>> -> memref<96xi32, #tpu.memory_space<vmem_shared>>
        tpu.enqueue_dma source(%dma_start3A_33 : memref<96xi32, #tpu.memory_space<vmem_shared>>) target(%arg12 : memref<96xi32, #tpu.memory_space<vmem>>) target_semaphore(%run_scoped3A : memref<!tpu.dma_semaphore, #tpu.memory_space<semaphore_mem>>)
        %dma_wait3A_34 = tpu.memref_slice %arg11[%add3A_16] : memref<6144xi32, #tpu.memory_space<vmem_shared>> -> memref<96xi32, #tpu.memory_space<vmem_shared>>
        %dma_wait3A_35 = tpu.memref_slice %arg11[%add3A_16] : memref<6144xi32, #tpu.memory_space<vmem_shared>> -> memref<96xi32, #tpu.memory_space<vmem_shared>>
        tpu.wait_dma2 semaphore(%run_scoped3A : memref<!tpu.dma_semaphore, #tpu.memory_space<semaphore_mem>>) src(%dma_wait3A_35 : memref<96xi32, #tpu.memory_space<vmem_shared>>) dst(%arg12 : memref<96xi32, #tpu.memory_space<vmem>>)
        tpu.yield
      }) : () -> ()
      %dma_start3A = arith.constant 0 : i32
      %dma_start3A_28 = arith.constant 0 : i32
      %dma_start3A_29 = tpu.memref_slice %arg6[%dma_start3A, %dma_start3A_28] : memref<2048x1024xf32, #tpu.memory_space<hbm>> -> memref<2048x1024xf32, #tpu.memory_space<hbm>>
      tpu.enqueue_indirect_dma source(%dma_start3A_29 : memref<2048x1024xf32, #tpu.memory_space<hbm>>) target(%arg13 : memref<96x1024xf32, #tpu.memory_space<vmem>>) offsets(%arg12 : memref<96xi32, #tpu.memory_space<vmem>>) semaphore(%arg15 : memref<!tpu.dma_semaphore, #tpu.memory_space<semaphore_mem>>)
      %dma_wait3A = arith.constant 0 : i32
      %dma_wait3A_30 = arith.constant 0 : i32
      %dma_wait3A_31 = tpu.memref_slice %arg6[%dma_wait3A, %dma_wait3A_30] : memref<2048x1024xf32, #tpu.memory_space<hbm>> -> memref<2048x1024xf32, #tpu.memory_space<hbm>>
      tpu.wait_indirect_dma semaphore(%arg15 : memref<!tpu.dma_semaphore, #tpu.memory_space<semaphore_mem>>) src(%dma_wait3A_31 : memref<2048x1024xf32, #tpu.memory_space<hbm>>) dst(%arg13 : memref<96x1024xf32, #tpu.memory_space<vmem>>)
      "tpu.region"() ({
        %run_scoped3A = tpu.sem_alloc : memref<!tpu.dma_semaphore, #tpu.memory_space<semaphore_mem>>
        %dma_start3A_32 = arith.constant 0 : i32
        %dma_start3A_33 = tpu.memref_slice %arg7[%add3A_16, %dma_start3A_32] : memref<6144x1024xf32, #tpu.memory_space<hbm>> -> memref<96x1024xf32, #tpu.memory_space<hbm>>
        %dma_start3A_34 = arith.constant 0 : i32
        %dma_start3A_35 = tpu.memref_slice %arg7[%add3A_16, %dma_start3A_34] : memref<6144x1024xf32, #tpu.memory_space<hbm>> -> memref<96x1024xf32, #tpu.memory_space<hbm>>
        tpu.enqueue_dma source(%arg13 : memref<96x1024xf32, #tpu.memory_space<vmem>>) target(%dma_start3A_35 : memref<96x1024xf32, #tpu.memory_space<hbm>>) target_semaphore(%run_scoped3A : memref<!tpu.dma_semaphore, #tpu.memory_space<semaphore_mem>>)
        %dma_wait3A_36 = arith.constant 0 : i32
        %dma_wait3A_37 = tpu.memref_slice %arg7[%add3A_16, %dma_wait3A_36] : memref<6144x1024xf32, #tpu.memory_space<hbm>> -> memref<96x1024xf32, #tpu.memory_space<hbm>>
        %dma_wait3A_38 = arith.constant 0 : i32
        %dma_wait3A_39 = tpu.memref_slice %arg7[%add3A_16, %dma_wait3A_38] : memref<6144x1024xf32, #tpu.memory_space<hbm>> -> memref<96x1024xf32, #tpu.memory_space<hbm>>
        tpu.wait_dma2 semaphore(%run_scoped3A : memref<!tpu.dma_semaphore, #tpu.memory_space<semaphore_mem>>) src(%arg13 : memref<96x1024xf32, #tpu.memory_space<vmem>>) dst(%dma_wait3A_39 : memref<96x1024xf32, #tpu.memory_space<hbm>>)
        tpu.yield
      }) : () -> ()
    } else {
    }
    %mul3A_20 = arith.constant 192 : i32
    %mul3A_21 = arith.muli %add3A, %mul3A_20 : i32
    %add3A_22 = arith.constant 96 : i32
    %add3A_23 = arith.addi %mul3A_21, %add3A_22 : i32
    %lt3A_24 = arith.cmpi slt, %add3A_23, %mul3A_10 : i32
    %convert_element_type3A_25 = arith.extui %lt3A_24 : i1 to i32
    %cond3A_26 = arith.constant 0 : i32
    %cond3A_27 = arith.cmpi ne, %convert_element_type3A_25, %cond3A_26 : i32
    scf.if %cond3A_27 {
      "tpu.region"() ({
        %run_scoped3A = tpu.sem_alloc : memref<!tpu.dma_semaphore, #tpu.memory_space<semaphore_mem>>
        %dma_start3A_32 = tpu.memref_slice %arg11[%add3A_23] : memref<6144xi32, #tpu.memory_space<vmem_shared>> -> memref<96xi32, #tpu.memory_space<vmem_shared>>
        %dma_start3A_33 = tpu.memref_slice %arg11[%add3A_23] : memref<6144xi32, #tpu.memory_space<vmem_shared>> -> memref<96xi32, #tpu.memory_space<vmem_shared>>
        tpu.enqueue_dma source(%dma_start3A_33 : memref<96xi32, #tpu.memory_space<vmem_shared>>) target(%arg12 : memref<96xi32, #tpu.memory_space<vmem>>) target_semaphore(%run_scoped3A : memref<!tpu.dma_semaphore, #tpu.memory_space<semaphore_mem>>)
        %dma_wait3A_34 = tpu.memref_slice %arg11[%add3A_23] : memref<6144xi32, #tpu.memory_space<vmem_shared>> -> memref<96xi32, #tpu.memory_space<vmem_shared>>
        %dma_wait3A_35 = tpu.memref_slice %arg11[%add3A_23] : memref<6144xi32, #tpu.memory_space<vmem_shared>> -> memref<96xi32, #tpu.memory_space<vmem_shared>>
        tpu.wait_dma2 semaphore(%run_scoped3A : memref<!tpu.dma_semaphore, #tpu.memory_space<semaphore_mem>>) src(%dma_wait3A_35 : memref<96xi32, #tpu.memory_space<vmem_shared>>) dst(%arg12 : memref<96xi32, #tpu.memory_space<vmem>>)
        tpu.yield
      }) : () -> ()
      %dma_start3A = arith.constant 0 : i32
      %dma_start3A_28 = arith.constant 0 : i32
      %dma_start3A_29 = tpu.memref_slice %arg6[%dma_start3A, %dma_start3A_28] : memref<2048x1024xf32, #tpu.memory_space<hbm>> -> memref<2048x1024xf32, #tpu.memory_space<hbm>>
      tpu.enqueue_indirect_dma source(%dma_start3A_29 : memref<2048x1024xf32, #tpu.memory_space<hbm>>) target(%arg13 : memref<96x1024xf32, #tpu.memory_space<vmem>>) offsets(%arg12 : memref<96xi32, #tpu.memory_space<vmem>>) semaphore(%arg15 : memref<!tpu.dma_semaphore, #tpu.memory_space<semaphore_mem>>)
      %dma_wait3A = arith.constant 0 : i32
      %dma_wait3A_30 = arith.constant 0 : i32
      %dma_wait3A_31 = tpu.memref_slice %arg6[%dma_wait3A, %dma_wait3A_30] : memref<2048x1024xf32, #tpu.memory_space<hbm>> -> memref<2048x1024xf32, #tpu.memory_space<hbm>>
      tpu.wait_indirect_dma semaphore(%arg15 : memref<!tpu.dma_semaphore, #tpu.memory_space<semaphore_mem>>) src(%dma_wait3A_31 : memref<2048x1024xf32, #tpu.memory_space<hbm>>) dst(%arg13 : memref<96x1024xf32, #tpu.memory_space<vmem>>)
      "tpu.region"() ({
        %run_scoped3A = tpu.sem_alloc : memref<!tpu.dma_semaphore, #tpu.memory_space<semaphore_mem>>
        %dma_start3A_32 = arith.constant 0 : i32
        %dma_start3A_33 = tpu.memref_slice %arg7[%add3A_23, %dma_start3A_32] : memref<6144x1024xf32, #tpu.memory_space<hbm>> -> memref<96x1024xf32, #tpu.memory_space<hbm>>
        %dma_start3A_34 = arith.constant 0 : i32
        %dma_start3A_35 = tpu.memref_slice %arg7[%add3A_23, %dma_start3A_34] : memref<6144x1024xf32, #tpu.memory_space<hbm>> -> memref<96x1024xf32, #tpu.memory_space<hbm>>
        tpu.enqueue_dma source(%arg13 : memref<96x1024xf32, #tpu.memory_space<vmem>>) target(%dma_start3A_35 : memref<96x1024xf32, #tpu.memory_space<hbm>>) target_semaphore(%run_scoped3A : memref<!tpu.dma_semaphore, #tpu.memory_space<semaphore_mem>>)
        %dma_wait3A_36 = arith.constant 0 : i32
        %dma_wait3A_37 = tpu.memref_slice %arg7[%add3A_23, %dma_wait3A_36] : memref<6144x1024xf32, #tpu.memory_space<hbm>> -> memref<96x1024xf32, #tpu.memory_space<hbm>>
        %dma_wait3A_38 = arith.constant 0 : i32
        %dma_wait3A_39 = tpu.memref_slice %arg7[%add3A_23, %dma_wait3A_38] : memref<6144x1024xf32, #tpu.memory_space<hbm>> -> memref<96x1024xf32, #tpu.memory_space<hbm>>
        tpu.wait_dma2 semaphore(%run_scoped3A : memref<!tpu.dma_semaphore, #tpu.memory_space<semaphore_mem>>) src(%arg13 : memref<96x1024xf32, #tpu.memory_space<vmem>>) dst(%dma_wait3A_39 : memref<96x1024xf32, #tpu.memory_space<hbm>>)
        tpu.yield
      }) : () -> ()
    } else {
    }
    return
  }
}

#map = affine_map<(d0, d1) -> (0)>
#map1 = affine_map<(d0, d1) -> (0, 0)>
module attributes {stable_mosaic.version = 14 : i64} {
  func.func @_sc_gather_o_body(%arg0: i32, %arg1: i32, %arg2: memref<2048xi32, #tpu.memory_space<hbm>>, %arg3: memref<2048xi32, #tpu.memory_space<hbm>>, %arg4: memref<6144x1024xf32, #tpu.memory_space<hbm>>, %arg5: memref<2048x1024xf32, #tpu.memory_space<hbm>>, %arg6: memref<2048x1024xf32, #tpu.memory_space<hbm>>, %arg7: memref<64xi32, #tpu.memory_space<vmem>>, %arg8: memref<64x1024xf32, #tpu.memory_space<vmem>>, %arg9: memref<!tpu.dma_semaphore, #tpu.memory_space<semaphore_mem>>) attributes {dimension_semantics = [#tpu.dimension_semantics<core_parallel>, #tpu.dimension_semantics<subcore_parallel>], iteration_bounds = array<i64: 2, 16>, scalar_prefetch = 0 : i64, scratch_operands = 3 : i64, tpu.core_type = #tpu.core_type<sc_vector_subcore>, window_params = [{transform_indices = #map}, {transform_indices = #map}, {transform_indices = #map1}, {transform_indices = #map1}, {transform_indices = #map1}]} {
    %mul3A = arith.constant 2 : i32
    %mul3A_0 = arith.muli %arg1, %mul3A : i32
    %add3A = arith.addi %mul3A_0, %arg0 : i32
    %mul3A_1 = arith.constant 64 : i32
    %mul3A_2 = arith.muli %add3A, %mul3A_1 : i32
    "tpu.region"() ({
      %run_scoped3A = tpu.sem_alloc : memref<!tpu.dma_semaphore, #tpu.memory_space<semaphore_mem>>
      %dma_start3A_13 = tpu.memref_slice %arg2[%mul3A_2] : memref<2048xi32, #tpu.memory_space<hbm>> -> memref<64xi32, #tpu.memory_space<hbm>>
      %dma_start3A_14 = tpu.memref_slice %arg2[%mul3A_2] : memref<2048xi32, #tpu.memory_space<hbm>> -> memref<64xi32, #tpu.memory_space<hbm>>
      tpu.enqueue_dma source(%dma_start3A_14 : memref<64xi32, #tpu.memory_space<hbm>>) target(%arg7 : memref<64xi32, #tpu.memory_space<vmem>>) target_semaphore(%run_scoped3A : memref<!tpu.dma_semaphore, #tpu.memory_space<semaphore_mem>>)
      %dma_wait3A_15 = tpu.memref_slice %arg2[%mul3A_2] : memref<2048xi32, #tpu.memory_space<hbm>> -> memref<64xi32, #tpu.memory_space<hbm>>
      %dma_wait3A_16 = tpu.memref_slice %arg2[%mul3A_2] : memref<2048xi32, #tpu.memory_space<hbm>> -> memref<64xi32, #tpu.memory_space<hbm>>
      tpu.wait_dma2 semaphore(%run_scoped3A : memref<!tpu.dma_semaphore, #tpu.memory_space<semaphore_mem>>) src(%dma_wait3A_16 : memref<64xi32, #tpu.memory_space<hbm>>) dst(%arg7 : memref<64xi32, #tpu.memory_space<vmem>>)
      tpu.yield
    }) : () -> ()
    %dma_start3A = arith.constant 0 : i32
    %dma_start3A_3 = arith.constant 0 : i32
    %dma_start3A_4 = tpu.memref_slice %arg4[%dma_start3A, %dma_start3A_3] : memref<6144x1024xf32, #tpu.memory_space<hbm>> -> memref<6144x1024xf32, #tpu.memory_space<hbm>>
    tpu.enqueue_indirect_dma source(%dma_start3A_4 : memref<6144x1024xf32, #tpu.memory_space<hbm>>) target(%arg8 : memref<64x1024xf32, #tpu.memory_space<vmem>>) offsets(%arg7 : memref<64xi32, #tpu.memory_space<vmem>>) semaphore(%arg9 : memref<!tpu.dma_semaphore, #tpu.memory_space<semaphore_mem>>)
    %dma_wait3A = arith.constant 0 : i32
    %dma_wait3A_5 = arith.constant 0 : i32
    %dma_wait3A_6 = tpu.memref_slice %arg4[%dma_wait3A, %dma_wait3A_5] : memref<6144x1024xf32, #tpu.memory_space<hbm>> -> memref<6144x1024xf32, #tpu.memory_space<hbm>>
    tpu.wait_indirect_dma semaphore(%arg9 : memref<!tpu.dma_semaphore, #tpu.memory_space<semaphore_mem>>) src(%dma_wait3A_6 : memref<6144x1024xf32, #tpu.memory_space<hbm>>) dst(%arg8 : memref<64x1024xf32, #tpu.memory_space<vmem>>)
    "tpu.region"() ({
      %run_scoped3A = tpu.sem_alloc : memref<!tpu.dma_semaphore, #tpu.memory_space<semaphore_mem>>
      %dma_start3A_13 = arith.constant 0 : i32
      %dma_start3A_14 = tpu.memref_slice %arg5[%mul3A_2, %dma_start3A_13] : memref<2048x1024xf32, #tpu.memory_space<hbm>> -> memref<64x1024xf32, #tpu.memory_space<hbm>>
      %dma_start3A_15 = arith.constant 0 : i32
      %dma_start3A_16 = tpu.memref_slice %arg5[%mul3A_2, %dma_start3A_15] : memref<2048x1024xf32, #tpu.memory_space<hbm>> -> memref<64x1024xf32, #tpu.memory_space<hbm>>
      tpu.enqueue_dma source(%arg8 : memref<64x1024xf32, #tpu.memory_space<vmem>>) target(%dma_start3A_16 : memref<64x1024xf32, #tpu.memory_space<hbm>>) target_semaphore(%run_scoped3A : memref<!tpu.dma_semaphore, #tpu.memory_space<semaphore_mem>>)
      %dma_wait3A_17 = arith.constant 0 : i32
      %dma_wait3A_18 = tpu.memref_slice %arg5[%mul3A_2, %dma_wait3A_17] : memref<2048x1024xf32, #tpu.memory_space<hbm>> -> memref<64x1024xf32, #tpu.memory_space<hbm>>
      %dma_wait3A_19 = arith.constant 0 : i32
      %dma_wait3A_20 = tpu.memref_slice %arg5[%mul3A_2, %dma_wait3A_19] : memref<2048x1024xf32, #tpu.memory_space<hbm>> -> memref<64x1024xf32, #tpu.memory_space<hbm>>
      tpu.wait_dma2 semaphore(%run_scoped3A : memref<!tpu.dma_semaphore, #tpu.memory_space<semaphore_mem>>) src(%arg8 : memref<64x1024xf32, #tpu.memory_space<vmem>>) dst(%dma_wait3A_20 : memref<64x1024xf32, #tpu.memory_space<hbm>>)
      tpu.yield
    }) : () -> ()
    "tpu.region"() ({
      %run_scoped3A = tpu.sem_alloc : memref<!tpu.dma_semaphore, #tpu.memory_space<semaphore_mem>>
      %dma_start3A_13 = tpu.memref_slice %arg3[%mul3A_2] : memref<2048xi32, #tpu.memory_space<hbm>> -> memref<64xi32, #tpu.memory_space<hbm>>
      %dma_start3A_14 = tpu.memref_slice %arg3[%mul3A_2] : memref<2048xi32, #tpu.memory_space<hbm>> -> memref<64xi32, #tpu.memory_space<hbm>>
      tpu.enqueue_dma source(%dma_start3A_14 : memref<64xi32, #tpu.memory_space<hbm>>) target(%arg7 : memref<64xi32, #tpu.memory_space<vmem>>) target_semaphore(%run_scoped3A : memref<!tpu.dma_semaphore, #tpu.memory_space<semaphore_mem>>)
      %dma_wait3A_15 = tpu.memref_slice %arg3[%mul3A_2] : memref<2048xi32, #tpu.memory_space<hbm>> -> memref<64xi32, #tpu.memory_space<hbm>>
      %dma_wait3A_16 = tpu.memref_slice %arg3[%mul3A_2] : memref<2048xi32, #tpu.memory_space<hbm>> -> memref<64xi32, #tpu.memory_space<hbm>>
      tpu.wait_dma2 semaphore(%run_scoped3A : memref<!tpu.dma_semaphore, #tpu.memory_space<semaphore_mem>>) src(%dma_wait3A_16 : memref<64xi32, #tpu.memory_space<hbm>>) dst(%arg7 : memref<64xi32, #tpu.memory_space<vmem>>)
      tpu.yield
    }) : () -> ()
    %dma_start3A_7 = arith.constant 0 : i32
    %dma_start3A_8 = arith.constant 0 : i32
    %dma_start3A_9 = tpu.memref_slice %arg4[%dma_start3A_7, %dma_start3A_8] : memref<6144x1024xf32, #tpu.memory_space<hbm>> -> memref<6144x1024xf32, #tpu.memory_space<hbm>>
    tpu.enqueue_indirect_dma source(%dma_start3A_9 : memref<6144x1024xf32, #tpu.memory_space<hbm>>) target(%arg8 : memref<64x1024xf32, #tpu.memory_space<vmem>>) offsets(%arg7 : memref<64xi32, #tpu.memory_space<vmem>>) semaphore(%arg9 : memref<!tpu.dma_semaphore, #tpu.memory_space<semaphore_mem>>)
    %dma_wait3A_10 = arith.constant 0 : i32
    %dma_wait3A_11 = arith.constant 0 : i32
    %dma_wait3A_12 = tpu.memref_slice %arg4[%dma_wait3A_10, %dma_wait3A_11] : memref<6144x1024xf32, #tpu.memory_space<hbm>> -> memref<6144x1024xf32, #tpu.memory_space<hbm>>
    tpu.wait_indirect_dma semaphore(%arg9 : memref<!tpu.dma_semaphore, #tpu.memory_space<semaphore_mem>>) src(%dma_wait3A_12 : memref<6144x1024xf32, #tpu.memory_space<hbm>>) dst(%arg8 : memref<64x1024xf32, #tpu.memory_space<vmem>>)
    "tpu.region"() ({
      %run_scoped3A = tpu.sem_alloc : memref<!tpu.dma_semaphore, #tpu.memory_space<semaphore_mem>>
      %dma_start3A_13 = arith.constant 0 : i32
      %dma_start3A_14 = tpu.memref_slice %arg6[%mul3A_2, %dma_start3A_13] : memref<2048x1024xf32, #tpu.memory_space<hbm>> -> memref<64x1024xf32, #tpu.memory_space<hbm>>
      %dma_start3A_15 = arith.constant 0 : i32
      %dma_start3A_16 = tpu.memref_slice %arg6[%mul3A_2, %dma_start3A_15] : memref<2048x1024xf32, #tpu.memory_space<hbm>> -> memref<64x1024xf32, #tpu.memory_space<hbm>>
      tpu.enqueue_dma source(%arg8 : memref<64x1024xf32, #tpu.memory_space<vmem>>) target(%dma_start3A_16 : memref<64x1024xf32, #tpu.memory_space<hbm>>) target_semaphore(%run_scoped3A : memref<!tpu.dma_semaphore, #tpu.memory_space<semaphore_mem>>)
      %dma_wait3A_17 = arith.constant 0 : i32
      %dma_wait3A_18 = tpu.memref_slice %arg6[%mul3A_2, %dma_wait3A_17] : memref<2048x1024xf32, #tpu.memory_space<hbm>> -> memref<64x1024xf32, #tpu.memory_space<hbm>>
      %dma_wait3A_19 = arith.constant 0 : i32
      %dma_wait3A_20 = tpu.memref_slice %arg6[%mul3A_2, %dma_wait3A_19] : memref<2048x1024xf32, #tpu.memory_space<hbm>> -> memref<64x1024xf32, #tpu.memory_space<hbm>>
      tpu.wait_dma2 semaphore(%run_scoped3A : memref<!tpu.dma_semaphore, #tpu.memory_space<semaphore_mem>>) src(%arg8 : memref<64x1024xf32, #tpu.memory_space<vmem>>) dst(%dma_wait3A_20 : memref<64x1024xf32, #tpu.memory_space<hbm>>)
      tpu.yield
    }) : () -> ()
    return
  }
}

module attributes {stable_mosaic.version = 14 : i64} {
  func.func @_router_kernel(%arg0: memref<2048x1024xf32, #tpu.memory_space<vmem>>, %arg1: memref<8x1024xf32, #tpu.memory_space<vmem>>, %arg2: memref<2048x128xi32, #tpu.memory_space<vmem>>, %arg3: memref<2048x128xf32, #tpu.memory_space<vmem>>, %arg4: memref<8x128xi32, #tpu.memory_space<vmem>>) attributes {dimension_semantics = [], scalar_prefetch = 0 : i64, scratch_operands = 0 : i64, tpu.core_type = #tpu.core_type<tc>} {
    %get3A = arith.constant 0 : index
    %get3A_0 = arith.constant 0 : index
    %get3A_1 = vector.load %arg0[%get3A, %get3A_0] : memref<2048x1024xf32, #tpu.memory_space<vmem>>, vector<2048x1024xf32>
    %get3A_2 = arith.constant 0 : index
    %get3A_3 = arith.constant 0 : index
    %get3A_4 = vector.load %arg1[%get3A_2, %get3A_3] : memref<8x1024xf32, #tpu.memory_space<vmem>>, vector<8x1024xf32>
    %transpose3A = tpu.transpose %get3A_4, [1, 0] : vector<8x1024xf32> -> vector<1024x8xf32>
    %dot_general3A = arith.constant dense<0.000000e+00> : vector<2048x8xf32>
    %dot_general3A_5 = tpu.matmul %get3A_1, %transpose3A, %dot_general3A {dimension_numbers = #tpu.dot_dimension_numbers<[1], [0], [0], [1], [0, 0, 1, 1], [], []>, transpose_lhs_hint = false} : vector<2048x1024xf32>, vector<1024x8xf32>, vector<2048x8xf32> -> vector<2048x8xf32>
    %reduce_max3A = arith.constant dense<0xFF800000> : vector<2048xf32>
    %reduce_max3A_6 = vector.multi_reduction <maximumf>, %dot_general3A_5, %reduce_max3A [1] : vector<2048x8xf32> to vector<2048xf32>
    %max3A = arith.constant 0xFF800000 : f32
    %max3A_7 = vector.broadcast %max3A : f32 to vector<2048xf32>
    %max3A_8 = arith.maximumf %max3A_7, %reduce_max3A_6 : vector<2048xf32>
    %broadcast_in_dim3A = vector.shape_cast %max3A_8 : vector<2048xf32> to vector<2048x1xf32>
    %sub3A = vector.broadcast %broadcast_in_dim3A : vector<2048x1xf32> to vector<2048x8xf32>
    %sub3A_9 = arith.subf %dot_general3A_5, %sub3A : vector<2048x8xf32>
    %exp3A = math.exp %sub3A_9 : vector<2048x8xf32>
    %reduce_sum3A = arith.constant dense<0.000000e+00> : vector<2048xf32>
    %reduce_sum3A_10 = vector.multi_reduction <add>, %exp3A, %reduce_sum3A [1] : vector<2048x8xf32> to vector<2048xf32>
    %broadcast_in_dim3A_11 = vector.shape_cast %reduce_sum3A_10 : vector<2048xf32> to vector<2048x1xf32>
    %div3A = vector.broadcast %broadcast_in_dim3A_11 : vector<2048x1xf32> to vector<2048x8xf32>
    %div3A_12 = arith.divf %exp3A, %div3A : vector<2048x8xf32>
    %iota3A = tpu.iota {dimensions = array<i32: 1>} : vector<2048x8xi32>
    %reduce_max3A_13 = arith.constant dense<0xFF800000> : vector<2048xf32>
    %reduce_max3A_14 = vector.multi_reduction <maximumf>, %div3A_12, %reduce_max3A_13 [1] : vector<2048x8xf32> to vector<2048xf32>
    %broadcast_in_dim3A_15 = vector.shape_cast %reduce_max3A_14 : vector<2048xf32> to vector<2048x1xf32>
    %argmax3A = tpu.reduce_index %div3A_12 {axis = 1 : i32, kind = #tpu.reduction_kind<arg_max>} : vector<2048x8xf32> -> vector<2048xi32>
    %broadcast_in_dim3A_16 = vector.shape_cast %argmax3A : vector<2048xi32> to vector<2048x1xi32>
    %eq3A = vector.broadcast %broadcast_in_dim3A_16 : vector<2048x1xi32> to vector<2048x8xi32>
    %eq3A_17 = arith.cmpi eq, %iota3A, %eq3A : vector<2048x8xi32>
    %jit3A = arith.constant 0xFF800000 : f32
    %broadcast_in_dim3A_18 = vector.broadcast %jit3A : f32 to vector<2048x8xf32>
    %select_n3A = arith.select %eq3A_17, %broadcast_in_dim3A_18, %div3A_12 : vector<2048x8xi1>, vector<2048x8xf32>
    %reduce_max3A_19 = arith.constant dense<0xFF800000> : vector<2048xf32>
    %reduce_max3A_20 = vector.multi_reduction <maximumf>, %select_n3A, %reduce_max3A_19 [1] : vector<2048x8xf32> to vector<2048xf32>
    %broadcast_in_dim3A_21 = vector.shape_cast %reduce_max3A_20 : vector<2048xf32> to vector<2048x1xf32>
    %argmax3A_22 = tpu.reduce_index %select_n3A {axis = 1 : i32, kind = #tpu.reduction_kind<arg_max>} : vector<2048x8xf32> -> vector<2048xi32>
    %broadcast_in_dim3A_23 = vector.shape_cast %argmax3A_22 : vector<2048xi32> to vector<2048x1xi32>
    %eq3A_24 = vector.broadcast %broadcast_in_dim3A_23 : vector<2048x1xi32> to vector<2048x8xi32>
    %eq3A_25 = arith.cmpi eq, %iota3A, %eq3A_24 : vector<2048x8xi32>
    %add3A = arith.addf %broadcast_in_dim3A_15, %broadcast_in_dim3A_21 : vector<2048x1xf32>
    %add3A_26 = arith.constant 9.99999968E-21 : f32
    %add3A_27 = vector.broadcast %add3A_26 : f32 to vector<2048x1xf32>
    %add3A_28 = arith.addf %add3A, %add3A_27 : vector<2048x1xf32>
    %div3A_29 = arith.divf %broadcast_in_dim3A_15, %add3A_28 : vector<2048x1xf32>
    %squeeze3A = vector.shape_cast %div3A_29 : vector<2048x1xf32> to vector<2048xf32>
    %div3A_30 = arith.divf %broadcast_in_dim3A_21, %add3A_28 : vector<2048x1xf32>
    %squeeze3A_31 = vector.shape_cast %div3A_30 : vector<2048x1xf32> to vector<2048xf32>
    %or3A = arith.ori %eq3A_17, %eq3A_25 : vector<2048x8xi1>
    %convert_element_type3A = arith.extui %or3A : vector<2048x8xi1> to vector<2048x8xi32>
    %convert_element_type3A_32 = arith.sitofp %convert_element_type3A : vector<2048x8xi32> to vector<2048x8xf32>
    %convert_element_type3A_33 = arith.truncf %convert_element_type3A_32 : vector<2048x8xf32> to vector<2048x8xbf16>
    %iota3A_34 = tpu.iota {dimensions = array<i32: 0>} : vector<256x256xi32>
    %iota3A_35 = tpu.iota {dimensions = array<i32: 1>} : vector<256x256xi32>
    %gt3A = arith.cmpi sgt, %iota3A_34, %iota3A_35 : vector<256x256xi32>
    %convert_element_type3A_36 = arith.extui %gt3A : vector<256x256xi1> to vector<256x256xi32>
    %convert_element_type3A_37 = arith.sitofp %convert_element_type3A_36 : vector<256x256xi32> to vector<256x256xf32>
    %convert_element_type3A_38 = arith.truncf %convert_element_type3A_37 : vector<256x256xf32> to vector<256x256xbf16>
    %broadcast_in_dim3A_39 = arith.constant 0.000000e+00 : f32
    %broadcast_in_dim3A_40 = vector.broadcast %broadcast_in_dim3A_39 : f32 to vector<1x8xf32>
    %slice3A = vector.extract_strided_slice %convert_element_type3A_33 {offsets = [0, 0], sizes = [256, 8], strides = [1, 1]} : vector<2048x8xbf16> to vector<256x8xbf16>
    %dot_general3A_41 = arith.constant dense<0.000000e+00> : vector<256x8xf32>
    %dot_general3A_42 = tpu.matmul %convert_element_type3A_38, %slice3A, %dot_general3A_41 {dimension_numbers = #tpu.dot_dimension_numbers<[1], [0], [0], [1], [0, 0, 1, 1], [], []>, transpose_lhs_hint = false} : vector<256x256xbf16>, vector<256x8xbf16>, vector<256x8xf32> -> vector<256x8xf32>
    %add3A_43 = vector.broadcast %broadcast_in_dim3A_40 : vector<1x8xf32> to vector<256x8xf32>
    %add3A_44 = arith.addf %dot_general3A_42, %add3A_43 : vector<256x8xf32>
    %convert_element_type3A_45 = arith.extf %slice3A : vector<256x8xbf16> to vector<256x8xf32>
    %reduce_sum3A_46 = arith.constant dense<0.000000e+00> : vector<8xf32>
    %reduce_sum3A_47 = vector.multi_reduction <add>, %convert_element_type3A_45, %reduce_sum3A_46 [0] : vector<256x8xf32> to vector<8xf32>
    %broadcast_in_dim3A_48 = vector.shape_cast %reduce_sum3A_47 : vector<8xf32> to vector<1x8xf32>
    %add3A_49 = arith.addf %broadcast_in_dim3A_40, %broadcast_in_dim3A_48 : vector<1x8xf32>
    %slice3A_50 = vector.extract_strided_slice %convert_element_type3A_33 {offsets = [256, 0], sizes = [256, 8], strides = [1, 1]} : vector<2048x8xbf16> to vector<256x8xbf16>
    %dot_general3A_51 = arith.constant dense<0.000000e+00> : vector<256x8xf32>
    %dot_general3A_52 = tpu.matmul %convert_element_type3A_38, %slice3A_50, %dot_general3A_51 {dimension_numbers = #tpu.dot_dimension_numbers<[1], [0], [0], [1], [0, 0, 1, 1], [], []>, transpose_lhs_hint = false} : vector<256x256xbf16>, vector<256x8xbf16>, vector<256x8xf32> -> vector<256x8xf32>
    %add3A_53 = vector.broadcast %add3A_49 : vector<1x8xf32> to vector<256x8xf32>
    %add3A_54 = arith.addf %dot_general3A_52, %add3A_53 : vector<256x8xf32>
    %convert_element_type3A_55 = arith.extf %slice3A_50 : vector<256x8xbf16> to vector<256x8xf32>
    %reduce_sum3A_56 = arith.constant dense<0.000000e+00> : vector<8xf32>
    %reduce_sum3A_57 = vector.multi_reduction <add>, %convert_element_type3A_55, %reduce_sum3A_56 [0] : vector<256x8xf32> to vector<8xf32>
    %broadcast_in_dim3A_58 = vector.shape_cast %reduce_sum3A_57 : vector<8xf32> to vector<1x8xf32>
    %add3A_59 = arith.addf %add3A_49, %broadcast_in_dim3A_58 : vector<1x8xf32>
    %slice3A_60 = vector.extract_strided_slice %convert_element_type3A_33 {offsets = [512, 0], sizes = [256, 8], strides = [1, 1]} : vector<2048x8xbf16> to vector<256x8xbf16>
    %dot_general3A_61 = arith.constant dense<0.000000e+00> : vector<256x8xf32>
    %dot_general3A_62 = tpu.matmul %convert_element_type3A_38, %slice3A_60, %dot_general3A_61 {dimension_numbers = #tpu.dot_dimension_numbers<[1], [0], [0], [1], [0, 0, 1, 1], [], []>, transpose_lhs_hint = false} : vector<256x256xbf16>, vector<256x8xbf16>, vector<256x8xf32> -> vector<256x8xf32>
    %add3A_63 = vector.broadcast %add3A_59 : vector<1x8xf32> to vector<256x8xf32>
    %add3A_64 = arith.addf %dot_general3A_62, %add3A_63 : vector<256x8xf32>
    %convert_element_type3A_65 = arith.extf %slice3A_60 : vector<256x8xbf16> to vector<256x8xf32>
    %reduce_sum3A_66 = arith.constant dense<0.000000e+00> : vector<8xf32>
    %reduce_sum3A_67 = vector.multi_reduction <add>, %convert_element_type3A_65, %reduce_sum3A_66 [0] : vector<256x8xf32> to vector<8xf32>
    %broadcast_in_dim3A_68 = vector.shape_cast %reduce_sum3A_67 : vector<8xf32> to vector<1x8xf32>
    %add3A_69 = arith.addf %add3A_59, %broadcast_in_dim3A_68 : vector<1x8xf32>
    %slice3A_70 = vector.extract_strided_slice %convert_element_type3A_33 {offsets = [768, 0], sizes = [256, 8], strides = [1, 1]} : vector<2048x8xbf16> to vector<256x8xbf16>
    %dot_general3A_71 = arith.constant dense<0.000000e+00> : vector<256x8xf32>
    %dot_general3A_72 = tpu.matmul %convert_element_type3A_38, %slice3A_70, %dot_general3A_71 {dimension_numbers = #tpu.dot_dimension_numbers<[1], [0], [0], [1], [0, 0, 1, 1], [], []>, transpose_lhs_hint = false} : vector<256x256xbf16>, vector<256x8xbf16>, vector<256x8xf32> -> vector<256x8xf32>
    %add3A_73 = vector.broadcast %add3A_69 : vector<1x8xf32> to vector<256x8xf32>
    %add3A_74 = arith.addf %dot_general3A_72, %add3A_73 : vector<256x8xf32>
    %convert_element_type3A_75 = arith.extf %slice3A_70 : vector<256x8xbf16> to vector<256x8xf32>
    %reduce_sum3A_76 = arith.constant dense<0.000000e+00> : vector<8xf32>
    %reduce_sum3A_77 = vector.multi_reduction <add>, %convert_element_type3A_75, %reduce_sum3A_76 [0] : vector<256x8xf32> to vector<8xf32>
    %broadcast_in_dim3A_78 = vector.shape_cast %reduce_sum3A_77 : vector<8xf32> to vector<1x8xf32>
    %add3A_79 = arith.addf %add3A_69, %broadcast_in_dim3A_78 : vector<1x8xf32>
    %slice3A_80 = vector.extract_strided_slice %convert_element_type3A_33 {offsets = [1024, 0], sizes = [256, 8], strides = [1, 1]} : vector<2048x8xbf16> to vector<256x8xbf16>
    %dot_general3A_81 = arith.constant dense<0.000000e+00> : vector<256x8xf32>
    %dot_general3A_82 = tpu.matmul %convert_element_type3A_38, %slice3A_80, %dot_general3A_81 {dimension_numbers = #tpu.dot_dimension_numbers<[1], [0], [0], [1], [0, 0, 1, 1], [], []>, transpose_lhs_hint = false} : vector<256x256xbf16>, vector<256x8xbf16>, vector<256x8xf32> -> vector<256x8xf32>
    %add3A_83 = vector.broadcast %add3A_79 : vector<1x8xf32> to vector<256x8xf32>
    %add3A_84 = arith.addf %dot_general3A_82, %add3A_83 : vector<256x8xf32>
    %convert_element_type3A_85 = arith.extf %slice3A_80 : vector<256x8xbf16> to vector<256x8xf32>
    %reduce_sum3A_86 = arith.constant dense<0.000000e+00> : vector<8xf32>
    %reduce_sum3A_87 = vector.multi_reduction <add>, %convert_element_type3A_85, %reduce_sum3A_86 [0] : vector<256x8xf32> to vector<8xf32>
    %broadcast_in_dim3A_88 = vector.shape_cast %reduce_sum3A_87 : vector<8xf32> to vector<1x8xf32>
    %add3A_89 = arith.addf %add3A_79, %broadcast_in_dim3A_88 : vector<1x8xf32>
    %slice3A_90 = vector.extract_strided_slice %convert_element_type3A_33 {offsets = [1280, 0], sizes = [256, 8], strides = [1, 1]} : vector<2048x8xbf16> to vector<256x8xbf16>
    %dot_general3A_91 = arith.constant dense<0.000000e+00> : vector<256x8xf32>
    %dot_general3A_92 = tpu.matmul %convert_element_type3A_38, %slice3A_90, %dot_general3A_91 {dimension_numbers = #tpu.dot_dimension_numbers<[1], [0], [0], [1], [0, 0, 1, 1], [], []>, transpose_lhs_hint = false} : vector<256x256xbf16>, vector<256x8xbf16>, vector<256x8xf32> -> vector<256x8xf32>
    %add3A_93 = vector.broadcast %add3A_89 : vector<1x8xf32> to vector<256x8xf32>
    %add3A_94 = arith.addf %dot_general3A_92, %add3A_93 : vector<256x8xf32>
    %convert_element_type3A_95 = arith.extf %slice3A_90 : vector<256x8xbf16> to vector<256x8xf32>
    %reduce_sum3A_96 = arith.constant dense<0.000000e+00> : vector<8xf32>
    %reduce_sum3A_97 = vector.multi_reduction <add>, %convert_element_type3A_95, %reduce_sum3A_96 [0] : vector<256x8xf32> to vector<8xf32>
    %broadcast_in_dim3A_98 = vector.shape_cast %reduce_sum3A_97 : vector<8xf32> to vector<1x8xf32>
    %add3A_99 = arith.addf %add3A_89, %broadcast_in_dim3A_98 : vector<1x8xf32>
    %slice3A_100 = vector.extract_strided_slice %convert_element_type3A_33 {offsets = [1536, 0], sizes = [256, 8], strides = [1, 1]} : vector<2048x8xbf16> to vector<256x8xbf16>
    %dot_general3A_101 = arith.constant dense<0.000000e+00> : vector<256x8xf32>
    %dot_general3A_102 = tpu.matmul %convert_element_type3A_38, %slice3A_100, %dot_general3A_101 {dimension_numbers = #tpu.dot_dimension_numbers<[1], [0], [0], [1], [0, 0, 1, 1], [], []>, transpose_lhs_hint = false} : vector<256x256xbf16>, vector<256x8xbf16>, vector<256x8xf32> -> vector<256x8xf32>
    %add3A_103 = vector.broadcast %add3A_99 : vector<1x8xf32> to vector<256x8xf32>
    %add3A_104 = arith.addf %dot_general3A_102, %add3A_103 : vector<256x8xf32>
    %convert_element_type3A_105 = arith.extf %slice3A_100 : vector<256x8xbf16> to vector<256x8xf32>
    %reduce_sum3A_106 = arith.constant dense<0.000000e+00> : vector<8xf32>
    %reduce_sum3A_107 = vector.multi_reduction <add>, %convert_element_type3A_105, %reduce_sum3A_106 [0] : vector<256x8xf32> to vector<8xf32>
    %broadcast_in_dim3A_108 = vector.shape_cast %reduce_sum3A_107 : vector<8xf32> to vector<1x8xf32>
    %add3A_109 = arith.addf %add3A_99, %broadcast_in_dim3A_108 : vector<1x8xf32>
    %slice3A_110 = vector.extract_strided_slice %convert_element_type3A_33 {offsets = [1792, 0], sizes = [256, 8], strides = [1, 1]} : vector<2048x8xbf16> to vector<256x8xbf16>
    %dot_general3A_111 = arith.constant dense<0.000000e+00> : vector<256x8xf32>
    %dot_general3A_112 = tpu.matmul %convert_element_type3A_38, %slice3A_110, %dot_general3A_111 {dimension_numbers = #tpu.dot_dimension_numbers<[1], [0], [0], [1], [0, 0, 1, 1], [], []>, transpose_lhs_hint = false} : vector<256x256xbf16>, vector<256x8xbf16>, vector<256x8xf32> -> vector<256x8xf32>
    %add3A_113 = vector.broadcast %add3A_109 : vector<1x8xf32> to vector<256x8xf32>
    %add3A_114 = arith.addf %dot_general3A_112, %add3A_113 : vector<256x8xf32>
    %convert_element_type3A_115 = arith.extf %slice3A_110 : vector<256x8xbf16> to vector<256x8xf32>
    %reduce_sum3A_116 = arith.constant dense<0.000000e+00> : vector<8xf32>
    %reduce_sum3A_117 = vector.multi_reduction <add>, %convert_element_type3A_115, %reduce_sum3A_116 [0] : vector<256x8xf32> to vector<8xf32>
    %broadcast_in_dim3A_118 = vector.shape_cast %reduce_sum3A_117 : vector<8xf32> to vector<1x8xf32>
    %add3A_119 = arith.addf %add3A_109, %broadcast_in_dim3A_118 : vector<1x8xf32>
    %concatenate3A = tpu.concatenate %add3A_44, %add3A_54, %add3A_64, %add3A_74, %add3A_84, %add3A_94, %add3A_104, %add3A_114 in 0 : vector<256x8xf32>, vector<256x8xf32>, vector<256x8xf32>, vector<256x8xf32>, vector<256x8xf32>, vector<256x8xf32>, vector<256x8xf32>, vector<256x8xf32> -> vector<2048x8xf32>
    %convert_element_type3A_120 = arith.fptosi %add3A_119 : vector<1x8xf32> to vector<1x8xi32>
    %add3A_121 = arith.constant 255 : i32
    %add3A_122 = vector.broadcast %add3A_121 : i32 to vector<1x8xi32>
    %add3A_123 = arith.addi %convert_element_type3A_120, %add3A_122 : vector<1x8xi32>
    %shift_right_arithmetic3A = arith.constant 8 : i32
    %shift_right_arithmetic3A_124 = vector.broadcast %shift_right_arithmetic3A : i32 to vector<1x8xi32>
    %shift_right_arithmetic3A_125 = arith.shrsi %add3A_123, %shift_right_arithmetic3A_124 : vector<1x8xi32>
    %shift_left3A = arith.constant 8 : i32
    %shift_left3A_126 = vector.broadcast %shift_left3A : i32 to vector<1x8xi32>
    %shift_left3A_127 = arith.shli %shift_right_arithmetic3A_125, %shift_left3A_126 : vector<1x8xi32>
    %iota3A_128 = tpu.iota {dimensions = array<i32: 0>} : vector<8x8xi32>
    %iota3A_129 = tpu.iota {dimensions = array<i32: 1>} : vector<8x8xi32>
    %le3A = arith.cmpi sle, %iota3A_128, %iota3A_129 : vector<8x8xi32>
    %convert_element_type3A_130 = arith.extui %le3A : vector<8x8xi1> to vector<8x8xi32>
    %convert_element_type3A_131 = arith.sitofp %convert_element_type3A_130 : vector<8x8xi32> to vector<8x8xf32>
    %convert_element_type3A_132 = arith.sitofp %shift_left3A_127 : vector<1x8xi32> to vector<1x8xf32>
    %dot_general3A_133 = arith.constant dense<0.000000e+00> : vector<1x8xf32>
    %dot_general3A_134 = tpu.matmul %convert_element_type3A_132, %convert_element_type3A_131, %dot_general3A_133 {dimension_numbers = #tpu.dot_dimension_numbers<[1], [0], [0], [1], [0, 0, 1, 1], [], []>, transpose_lhs_hint = false} : vector<1x8xf32>, vector<8x8xf32>, vector<1x8xf32> -> vector<1x8xf32>
    %convert_element_type3A_135 = arith.sitofp %shift_left3A_127 : vector<1x8xi32> to vector<1x8xf32>
    %sub3A_136 = arith.subf %dot_general3A_134, %convert_element_type3A_135 : vector<1x8xf32>
    %convert_element_type3A_137 = arith.extui %eq3A_17 : vector<2048x8xi1> to vector<2048x8xi32>
    %convert_element_type3A_138 = arith.sitofp %convert_element_type3A_137 : vector<2048x8xi32> to vector<2048x8xf32>
    %convert_element_type3A_139 = arith.extui %eq3A_25 : vector<2048x8xi1> to vector<2048x8xi32>
    %convert_element_type3A_140 = arith.sitofp %convert_element_type3A_139 : vector<2048x8xi32> to vector<2048x8xf32>
    %mul3A = arith.mulf %concatenate3A, %convert_element_type3A_138 : vector<2048x8xf32>
    %reduce_sum3A_141 = arith.constant dense<0.000000e+00> : vector<2048xf32>
    %reduce_sum3A_142 = vector.multi_reduction <add>, %mul3A, %reduce_sum3A_141 [1] : vector<2048x8xf32> to vector<2048xf32>
    %mul3A_143 = arith.mulf %concatenate3A, %convert_element_type3A_140 : vector<2048x8xf32>
    %reduce_sum3A_144 = arith.constant dense<0.000000e+00> : vector<2048xf32>
    %reduce_sum3A_145 = vector.multi_reduction <add>, %mul3A_143, %reduce_sum3A_144 [1] : vector<2048x8xf32> to vector<2048xf32>
    %mul3A_146 = vector.broadcast %sub3A_136 : vector<1x8xf32> to vector<2048x8xf32>
    %mul3A_147 = arith.mulf %mul3A_146, %convert_element_type3A_138 : vector<2048x8xf32>
    %reduce_sum3A_148 = arith.constant dense<0.000000e+00> : vector<2048xf32>
    %reduce_sum3A_149 = vector.multi_reduction <add>, %mul3A_147, %reduce_sum3A_148 [1] : vector<2048x8xf32> to vector<2048xf32>
    %add3A_150 = arith.addf %reduce_sum3A_142, %reduce_sum3A_149 : vector<2048xf32>
    %convert_element_type3A_151 = arith.fptosi %add3A_150 : vector<2048xf32> to vector<2048xi32>
    %mul3A_152 = vector.broadcast %sub3A_136 : vector<1x8xf32> to vector<2048x8xf32>
    %mul3A_153 = arith.mulf %mul3A_152, %convert_element_type3A_140 : vector<2048x8xf32>
    %reduce_sum3A_154 = arith.constant dense<0.000000e+00> : vector<2048xf32>
    %reduce_sum3A_155 = vector.multi_reduction <add>, %mul3A_153, %reduce_sum3A_154 [1] : vector<2048x8xf32> to vector<2048xf32>
    %add3A_156 = arith.addf %reduce_sum3A_145, %reduce_sum3A_155 : vector<2048xf32>
    %convert_element_type3A_157 = arith.fptosi %add3A_156 : vector<2048xf32> to vector<2048xi32>
    %iota3A_158 = tpu.iota {dimensions = array<i32: 1>} : vector<2048x128xi32>
    %eq3A_159 = arith.constant 0 : i32
    %eq3A_160 = vector.broadcast %eq3A_159 : i32 to vector<2048x128xi32>
    %eq3A_161 = arith.cmpi eq, %iota3A_158, %eq3A_160 : vector<2048x128xi32>
    %broadcast_in_dim3A_162 = vector.shape_cast %convert_element_type3A_151 : vector<2048xi32> to vector<2048x1xi32>
    %eq3A_163 = arith.constant 1 : i32
    %eq3A_164 = vector.broadcast %eq3A_163 : i32 to vector<2048x128xi32>
    %eq3A_165 = arith.cmpi eq, %iota3A_158, %eq3A_164 : vector<2048x128xi32>
    %broadcast_in_dim3A_166 = vector.shape_cast %convert_element_type3A_157 : vector<2048xi32> to vector<2048x1xi32>
    %jit3A_167 = arith.constant 0 : i32
    %broadcast_in_dim3A_168 = vector.shape_cast %broadcast_in_dim3A_166 : vector<2048x1xi32> to vector<2048x1xi32>
    %broadcast_in_dim3A_169 = vector.broadcast %broadcast_in_dim3A_168 : vector<2048x1xi32> to vector<2048x128xi32>
    %broadcast_in_dim3A_170 = vector.broadcast %jit3A_167 : i32 to vector<2048x128xi32>
    %select_n3A_171 = arith.select %eq3A_165, %broadcast_in_dim3A_169, %broadcast_in_dim3A_170 : vector<2048x128xi1>, vector<2048x128xi32>
    %broadcast_in_dim3A_172 = vector.shape_cast %broadcast_in_dim3A_162 : vector<2048x1xi32> to vector<2048x1xi32>
    %broadcast_in_dim3A_173 = vector.broadcast %broadcast_in_dim3A_172 : vector<2048x1xi32> to vector<2048x128xi32>
    %select_n3A_174 = arith.select %eq3A_161, %broadcast_in_dim3A_173, %select_n3A_171 : vector<2048x128xi1>, vector<2048x128xi32>
    %swap3A = arith.constant 0 : index
    %swap3A_175 = arith.constant 0 : index
    %swap3A_176 = vector.load %arg2[%swap3A, %swap3A_175] : memref<2048x128xi32, #tpu.memory_space<vmem>>, vector<2048x128xi32>
    tpu.vector_store %arg2[%swap3A, %swap3A_175], %select_n3A_174 {strides = array<i32>} : memref<2048x128xi32, #tpu.memory_space<vmem>>, vector<2048x128xi32>,
    %eq3A_177 = arith.constant 0 : i32
    %eq3A_178 = vector.broadcast %eq3A_177 : i32 to vector<2048x128xi32>
    %eq3A_179 = arith.cmpi eq, %iota3A_158, %eq3A_178 : vector<2048x128xi32>
    %broadcast_in_dim3A_180 = vector.shape_cast %squeeze3A : vector<2048xf32> to vector<2048x1xf32>
    %eq3A_181 = arith.constant 1 : i32
    %eq3A_182 = vector.broadcast %eq3A_181 : i32 to vector<2048x128xi32>
    %eq3A_183 = arith.cmpi eq, %iota3A_158, %eq3A_182 : vector<2048x128xi32>
    %broadcast_in_dim3A_184 = vector.shape_cast %squeeze3A_31 : vector<2048xf32> to vector<2048x1xf32>
    %jit3A_185 = arith.constant 0.000000e+00 : f32
    %broadcast_in_dim3A_186 = vector.shape_cast %broadcast_in_dim3A_184 : vector<2048x1xf32> to vector<2048x1xf32>
    %broadcast_in_dim3A_187 = vector.broadcast %broadcast_in_dim3A_186 : vector<2048x1xf32> to vector<2048x128xf32>
    %broadcast_in_dim3A_188 = vector.broadcast %jit3A_185 : f32 to vector<2048x128xf32>
    %select_n3A_189 = arith.select %eq3A_183, %broadcast_in_dim3A_187, %broadcast_in_dim3A_188 : vector<2048x128xi1>, vector<2048x128xf32>
    %broadcast_in_dim3A_190 = vector.shape_cast %broadcast_in_dim3A_180 : vector<2048x1xf32> to vector<2048x1xf32>
    %broadcast_in_dim3A_191 = vector.broadcast %broadcast_in_dim3A_190 : vector<2048x1xf32> to vector<2048x128xf32>
    %select_n3A_192 = arith.select %eq3A_179, %broadcast_in_dim3A_191, %select_n3A_189 : vector<2048x128xi1>, vector<2048x128xf32>
    %swap3A_193 = arith.constant 0 : index
    %swap3A_194 = arith.constant 0 : index
    %swap3A_195 = vector.load %arg3[%swap3A_193, %swap3A_194] : memref<2048x128xf32, #tpu.memory_space<vmem>>, vector<2048x128xf32>
    tpu.vector_store %arg3[%swap3A_193, %swap3A_194], %select_n3A_192 {strides = array<i32>} : memref<2048x128xf32, #tpu.memory_space<vmem>>, vector<2048x128xf32>,
    %iota3A_196 = tpu.iota {dimensions = array<i32: 1>} : vector<1x8xi32>
    %iota3A_197 = tpu.iota {dimensions = array<i32: 1>} : vector<1x128xi32>
    %convert_element_type3A_198 = arith.sitofp %iota3A_197 : vector<1x128xi32> to vector<1x128xf32>
    %mul3A_199 = arith.constant 2.560000e+02 : f32
    %mul3A_200 = vector.broadcast %mul3A_199 : f32 to vector<1x128xf32>
    %mul3A_201 = arith.mulf %convert_element_type3A_198, %mul3A_200 : vector<1x128xf32>
    %broadcast_in_dim3A_202 = arith.constant 0 : i32
    %broadcast_in_dim3A_203 = vector.broadcast %broadcast_in_dim3A_202 : i32 to vector<1x128xi32>
    %eq3A_204 = arith.constant 0 : i32
    %eq3A_205 = vector.broadcast %eq3A_204 : i32 to vector<1x8xi32>
    %eq3A_206 = arith.cmpi eq, %iota3A_196, %eq3A_205 : vector<1x8xi32>
    %convert_element_type3A_207 = arith.extui %eq3A_206 : vector<1x8xi1> to vector<1x8xi32>
    %convert_element_type3A_208 = arith.sitofp %convert_element_type3A_207 : vector<1x8xi32> to vector<1x8xf32>
    %mul3A_209 = arith.mulf %dot_general3A_134, %convert_element_type3A_208 : vector<1x8xf32>
    %reduce_sum3A_210 = arith.constant dense<0.000000e+00> : vector<1xf32>
    %reduce_sum3A_211 = vector.multi_reduction <add>, %mul3A_209, %reduce_sum3A_210 [1] : vector<1x8xf32> to vector<1xf32>
    %broadcast_in_dim3A_212 = vector.shape_cast %reduce_sum3A_211 : vector<1xf32> to vector<1x1xf32>
    %ge3A = vector.broadcast %broadcast_in_dim3A_212 : vector<1x1xf32> to vector<1x128xf32>
    %ge3A_213 = arith.cmpf oge, %mul3A_201, %ge3A : vector<1x128xf32>
    %convert_element_type3A_214 = arith.extui %ge3A_213 : vector<1x128xi1> to vector<1x128xi32>
    %add3A_215 = arith.addi %broadcast_in_dim3A_203, %convert_element_type3A_214 : vector<1x128xi32>
    %eq3A_216 = arith.constant 1 : i32
    %eq3A_217 = vector.broadcast %eq3A_216 : i32 to vector<1x8xi32>
    %eq3A_218 = arith.cmpi eq, %iota3A_196, %eq3A_217 : vector<1x8xi32>
    %convert_element_type3A_219 = arith.extui %eq3A_218 : vector<1x8xi1> to vector<1x8xi32>
    %convert_element_type3A_220 = arith.sitofp %convert_element_type3A_219 : vector<1x8xi32> to vector<1x8xf32>
    %mul3A_221 = arith.mulf %dot_general3A_134, %convert_element_type3A_220 : vector<1x8xf32>
    %reduce_sum3A_222 = arith.constant dense<0.000000e+00> : vector<1xf32>
    %reduce_sum3A_223 = vector.multi_reduction <add>, %mul3A_221, %reduce_sum3A_222 [1] : vector<1x8xf32> to vector<1xf32>
    %broadcast_in_dim3A_224 = vector.shape_cast %reduce_sum3A_223 : vector<1xf32> to vector<1x1xf32>
    %ge3A_225 = vector.broadcast %broadcast_in_dim3A_224 : vector<1x1xf32> to vector<1x128xf32>
    %ge3A_226 = arith.cmpf oge, %mul3A_201, %ge3A_225 : vector<1x128xf32>
    %convert_element_type3A_227 = arith.extui %ge3A_226 : vector<1x128xi1> to vector<1x128xi32>
    %add3A_228 = arith.addi %add3A_215, %convert_element_type3A_227 : vector<1x128xi32>
    %eq3A_229 = arith.constant 2 : i32
    %eq3A_230 = vector.broadcast %eq3A_229 : i32 to vector<1x8xi32>
    %eq3A_231 = arith.cmpi eq, %iota3A_196, %eq3A_230 : vector<1x8xi32>
    %convert_element_type3A_232 = arith.extui %eq3A_231 : vector<1x8xi1> to vector<1x8xi32>
    %convert_element_type3A_233 = arith.sitofp %convert_element_type3A_232 : vector<1x8xi32> to vector<1x8xf32>
    %mul3A_234 = arith.mulf %dot_general3A_134, %convert_element_type3A_233 : vector<1x8xf32>
    %reduce_sum3A_235 = arith.constant dense<0.000000e+00> : vector<1xf32>
    %reduce_sum3A_236 = vector.multi_reduction <add>, %mul3A_234, %reduce_sum3A_235 [1] : vector<1x8xf32> to vector<1xf32>
    %broadcast_in_dim3A_237 = vector.shape_cast %reduce_sum3A_236 : vector<1xf32> to vector<1x1xf32>
    %ge3A_238 = vector.broadcast %broadcast_in_dim3A_237 : vector<1x1xf32> to vector<1x128xf32>
    %ge3A_239 = arith.cmpf oge, %mul3A_201, %ge3A_238 : vector<1x128xf32>
    %convert_element_type3A_240 = arith.extui %ge3A_239 : vector<1x128xi1> to vector<1x128xi32>
    %add3A_241 = arith.addi %add3A_228, %convert_element_type3A_240 : vector<1x128xi32>
    %eq3A_242 = arith.constant 3 : i32
    %eq3A_243 = vector.broadcast %eq3A_242 : i32 to vector<1x8xi32>
    %eq3A_244 = arith.cmpi eq, %iota3A_196, %eq3A_243 : vector<1x8xi32>
    %convert_element_type3A_245 = arith.extui %eq3A_244 : vector<1x8xi1> to vector<1x8xi32>
    %convert_element_type3A_246 = arith.sitofp %convert_element_type3A_245 : vector<1x8xi32> to vector<1x8xf32>
    %mul3A_247 = arith.mulf %dot_general3A_134, %convert_element_type3A_246 : vector<1x8xf32>
    %reduce_sum3A_248 = arith.constant dense<0.000000e+00> : vector<1xf32>
    %reduce_sum3A_249 = vector.multi_reduction <add>, %mul3A_247, %reduce_sum3A_248 [1] : vector<1x8xf32> to vector<1xf32>
    %broadcast_in_dim3A_250 = vector.shape_cast %reduce_sum3A_249 : vector<1xf32> to vector<1x1xf32>
    %ge3A_251 = vector.broadcast %broadcast_in_dim3A_250 : vector<1x1xf32> to vector<1x128xf32>
    %ge3A_252 = arith.cmpf oge, %mul3A_201, %ge3A_251 : vector<1x128xf32>
    %convert_element_type3A_253 = arith.extui %ge3A_252 : vector<1x128xi1> to vector<1x128xi32>
    %add3A_254 = arith.addi %add3A_241, %convert_element_type3A_253 : vector<1x128xi32>
    %eq3A_255 = arith.constant 4 : i32
    %eq3A_256 = vector.broadcast %eq3A_255 : i32 to vector<1x8xi32>
    %eq3A_257 = arith.cmpi eq, %iota3A_196, %eq3A_256 : vector<1x8xi32>
    %convert_element_type3A_258 = arith.extui %eq3A_257 : vector<1x8xi1> to vector<1x8xi32>
    %convert_element_type3A_259 = arith.sitofp %convert_element_type3A_258 : vector<1x8xi32> to vector<1x8xf32>
    %mul3A_260 = arith.mulf %dot_general3A_134, %convert_element_type3A_259 : vector<1x8xf32>
    %reduce_sum3A_261 = arith.constant dense<0.000000e+00> : vector<1xf32>
    %reduce_sum3A_262 = vector.multi_reduction <add>, %mul3A_260, %reduce_sum3A_261 [1] : vector<1x8xf32> to vector<1xf32>
    %broadcast_in_dim3A_263 = vector.shape_cast %reduce_sum3A_262 : vector<1xf32> to vector<1x1xf32>
    %ge3A_264 = vector.broadcast %broadcast_in_dim3A_263 : vector<1x1xf32> to vector<1x128xf32>
    %ge3A_265 = arith.cmpf oge, %mul3A_201, %ge3A_264 : vector<1x128xf32>
    %convert_element_type3A_266 = arith.extui %ge3A_265 : vector<1x128xi1> to vector<1x128xi32>
    %add3A_267 = arith.addi %add3A_254, %convert_element_type3A_266 : vector<1x128xi32>
    %eq3A_268 = arith.constant 5 : i32
    %eq3A_269 = vector.broadcast %eq3A_268 : i32 to vector<1x8xi32>
    %eq3A_270 = arith.cmpi eq, %iota3A_196, %eq3A_269 : vector<1x8xi32>
    %convert_element_type3A_271 = arith.extui %eq3A_270 : vector<1x8xi1> to vector<1x8xi32>
    %convert_element_type3A_272 = arith.sitofp %convert_element_type3A_271 : vector<1x8xi32> to vector<1x8xf32>
    %mul3A_273 = arith.mulf %dot_general3A_134, %convert_element_type3A_272 : vector<1x8xf32>
    %reduce_sum3A_274 = arith.constant dense<0.000000e+00> : vector<1xf32>
    %reduce_sum3A_275 = vector.multi_reduction <add>, %mul3A_273, %reduce_sum3A_274 [1] : vector<1x8xf32> to vector<1xf32>
    %broadcast_in_dim3A_276 = vector.shape_cast %reduce_sum3A_275 : vector<1xf32> to vector<1x1xf32>
    %ge3A_277 = vector.broadcast %broadcast_in_dim3A_276 : vector<1x1xf32> to vector<1x128xf32>
    %ge3A_278 = arith.cmpf oge, %mul3A_201, %ge3A_277 : vector<1x128xf32>
    %convert_element_type3A_279 = arith.extui %ge3A_278 : vector<1x128xi1> to vector<1x128xi32>
    %add3A_280 = arith.addi %add3A_267, %convert_element_type3A_279 : vector<1x128xi32>
    %eq3A_281 = arith.constant 6 : i32
    %eq3A_282 = vector.broadcast %eq3A_281 : i32 to vector<1x8xi32>
    %eq3A_283 = arith.cmpi eq, %iota3A_196, %eq3A_282 : vector<1x8xi32>
    %convert_element_type3A_284 = arith.extui %eq3A_283 : vector<1x8xi1> to vector<1x8xi32>
    %convert_element_type3A_285 = arith.sitofp %convert_element_type3A_284 : vector<1x8xi32> to vector<1x8xf32>
    %mul3A_286 = arith.mulf %dot_general3A_134, %convert_element_type3A_285 : vector<1x8xf32>
    %reduce_sum3A_287 = arith.constant dense<0.000000e+00> : vector<1xf32>
    %reduce_sum3A_288 = vector.multi_reduction <add>, %mul3A_286, %reduce_sum3A_287 [1] : vector<1x8xf32> to vector<1xf32>
    %broadcast_in_dim3A_289 = vector.shape_cast %reduce_sum3A_288 : vector<1xf32> to vector<1x1xf32>
    %ge3A_290 = vector.broadcast %broadcast_in_dim3A_289 : vector<1x1xf32> to vector<1x128xf32>
    %ge3A_291 = arith.cmpf oge, %mul3A_201, %ge3A_290 : vector<1x128xf32>
    %convert_element_type3A_292 = arith.extui %ge3A_291 : vector<1x128xi1> to vector<1x128xi32>
    %add3A_293 = arith.addi %add3A_280, %convert_element_type3A_292 : vector<1x128xi32>
    %eq3A_294 = arith.constant 7 : i32
    %eq3A_295 = vector.broadcast %eq3A_294 : i32 to vector<1x8xi32>
    %eq3A_296 = arith.cmpi eq, %iota3A_196, %eq3A_295 : vector<1x8xi32>
    %convert_element_type3A_297 = arith.extui %eq3A_296 : vector<1x8xi1> to vector<1x8xi32>
    %convert_element_type3A_298 = arith.sitofp %convert_element_type3A_297 : vector<1x8xi32> to vector<1x8xf32>
    %mul3A_299 = arith.mulf %dot_general3A_134, %convert_element_type3A_298 : vector<1x8xf32>
    %reduce_sum3A_300 = arith.constant dense<0.000000e+00> : vector<1xf32>
    %reduce_sum3A_301 = vector.multi_reduction <add>, %mul3A_299, %reduce_sum3A_300 [1] : vector<1x8xf32> to vector<1xf32>
    %broadcast_in_dim3A_302 = vector.shape_cast %reduce_sum3A_301 : vector<1xf32> to vector<1x1xf32>
    %ge3A_303 = vector.broadcast %broadcast_in_dim3A_302 : vector<1x1xf32> to vector<1x128xf32>
    %ge3A_304 = arith.cmpf oge, %mul3A_201, %ge3A_303 : vector<1x128xf32>
    %convert_element_type3A_305 = arith.extui %ge3A_304 : vector<1x128xi1> to vector<1x128xi32>
    %add3A_306 = arith.addi %add3A_293, %convert_element_type3A_305 : vector<1x128xi32>
    %min3A = arith.constant 7 : i32
    %min3A_307 = vector.broadcast %min3A : i32 to vector<1x128xi32>
    %min3A_308 = arith.minsi %add3A_306, %min3A_307 : vector<1x128xi32>
    %eq3A_309 = arith.constant 7 : i32
    %eq3A_310 = vector.broadcast %eq3A_309 : i32 to vector<1x8xi32>
    %eq3A_311 = arith.cmpi eq, %iota3A_196, %eq3A_310 : vector<1x8xi32>
    %convert_element_type3A_312 = arith.extui %eq3A_311 : vector<1x8xi1> to vector<1x8xi32>
    %convert_element_type3A_313 = arith.sitofp %convert_element_type3A_312 : vector<1x8xi32> to vector<1x8xf32>
    %mul3A_314 = arith.mulf %dot_general3A_134, %convert_element_type3A_313 : vector<1x8xf32>
    %reduce_sum3A_315 = arith.constant dense<0.000000e+00> : vector<1xf32>
    %reduce_sum3A_316 = vector.multi_reduction <add>, %mul3A_314, %reduce_sum3A_315 [1] : vector<1x8xf32> to vector<1xf32>
    %broadcast_in_dim3A_317 = vector.shape_cast %reduce_sum3A_316 : vector<1xf32> to vector<1x1xf32>
    %div3A_318 = arith.constant 2.560000e+02 : f32
    %div3A_319 = vector.broadcast %div3A_318 : f32 to vector<1x1xf32>
    %div3A_320 = arith.divf %broadcast_in_dim3A_317, %div3A_319 : vector<1x1xf32>
    %convert_element_type3A_321 = arith.fptosi %div3A_320 : vector<1x1xf32> to vector<1x1xi32>
    %iota3A_322 = tpu.iota {dimensions = array<i32: 0>} : vector<8x128xi32>
    %eq3A_323 = arith.constant 0 : i32
    %eq3A_324 = vector.broadcast %eq3A_323 : i32 to vector<8x128xi32>
    %eq3A_325 = arith.cmpi eq, %iota3A_322, %eq3A_324 : vector<8x128xi32>
    %eq3A_326 = arith.constant 1 : i32
    %eq3A_327 = vector.broadcast %eq3A_326 : i32 to vector<8x128xi32>
    %eq3A_328 = arith.cmpi eq, %iota3A_322, %eq3A_327 : vector<8x128xi32>
    %jit3A_329 = arith.constant 0 : i32
    %broadcast_in_dim3A_330 = vector.shape_cast %convert_element_type3A_321 : vector<1x1xi32> to vector<1x1xi32>
    %broadcast_in_dim3A_331 = vector.broadcast %broadcast_in_dim3A_330 : vector<1x1xi32> to vector<8x128xi32>
    %broadcast_in_dim3A_332 = vector.broadcast %jit3A_329 : i32 to vector<8x128xi32>
    %select_n3A_333 = arith.select %eq3A_328, %broadcast_in_dim3A_331, %broadcast_in_dim3A_332 : vector<8x128xi1>, vector<8x128xi32>
    %broadcast_in_dim3A_334 = vector.shape_cast %min3A_308 : vector<1x128xi32> to vector<1x128xi32>
    %broadcast_in_dim3A_335 = vector.broadcast %broadcast_in_dim3A_334 : vector<1x128xi32> to vector<8x128xi32>
    %select_n3A_336 = arith.select %eq3A_325, %broadcast_in_dim3A_335, %select_n3A_333 : vector<8x128xi1>, vector<8x128xi32>
    %swap3A_337 = arith.constant 0 : index
    %swap3A_338 = arith.constant 0 : index
    %swap3A_339 = vector.load %arg4[%swap3A_337, %swap3A_338] : memref<8x128xi32, #tpu.memory_space<vmem>>, vector<8x128xi32>
    tpu.vector_store %arg4[%swap3A_337, %swap3A_338], %select_n3A_336 {strides = array<i32>} : memref<8x128xi32, #tpu.memory_space<vmem>>, vector<8x128xi32>,
    return
  }
}

module attributes {stable_mosaic.version = 14 : i64} {
  func.func @_ffn_kernel(%arg0: i32, %arg1: memref<64xi32, #tpu.memory_space<smem>>, %arg2: memref<256x1024xf32, #tpu.memory_space<vmem>>, %arg3: memref<1x512x1024xbf16, #tpu.memory_space<vmem>>, %arg4: memref<1x512x1024xbf16, #tpu.memory_space<vmem>>, %arg5: memref<1x1024x512xbf16, #tpu.memory_space<vmem>>, %arg6: memref<256x1024xf32, #tpu.memory_space<vmem>>) attributes {dimension_semantics = [#tpu.dimension_semantics<arbitrary>], iteration_bounds = array<i64: 24>, scalar_prefetch = 1 : i64, scratch_operands = 0 : i64, tpu.core_type = #tpu.core_type<tc>, window_params = [{transform_indices = @transform_0, window_bounds = array<i64: 256, 1024>}, {transform_indices = @transform_1, window_bounds = array<i64: 1, 512, 1024>}, {transform_indices = @transform_2, window_bounds = array<i64: 1, 512, 1024>}, {transform_indices = @transform_3, window_bounds = array<i64: 1, 1024, 512>}, {transform_indices = @transform_4, window_bounds = array<i64: 256, 1024>}]} {
    %get3A = arith.constant 32 : index
    %get3A_0 = memref.load %arg1[%get3A] : memref<64xi32, #tpu.memory_space<smem>>
    %lt3A = arith.cmpi slt, %arg0, %get3A_0 : i32
    %convert_element_type3A = arith.extui %lt3A : i1 to i32
    %cond3A = arith.constant 0 : i32
    %cond3A_1 = arith.cmpi ne, %convert_element_type3A, %cond3A : i32
    scf.if %cond3A_1 {
      %get3A_2 = arith.constant 0 : index
      %get3A_3 = arith.constant 0 : index
      %get3A_4 = vector.load %arg2[%get3A_2, %get3A_3] : memref<256x1024xf32, #tpu.memory_space<vmem>>, vector<256x1024xf32>
      %convert_element_type3A_5 = arith.truncf %get3A_4 : vector<256x1024xf32> to vector<256x1024xbf16>
      %get3A_6 = arith.constant 0 : index
      %get3A_7 = arith.constant 0 : index
      %get3A_8 = arith.constant 0 : index
      %get3A_9 = vector.load %arg3[%get3A_6, %get3A_7, %get3A_8] : memref<1x512x1024xbf16, #tpu.memory_space<vmem>>, vector<1x512x1024xbf16>
      %get3A_10 = vector.shape_cast %get3A_9 : vector<1x512x1024xbf16> to vector<512x1024xbf16>
      %transpose3A = tpu.transpose %get3A_10, [1, 0] : vector<512x1024xbf16> -> vector<1024x512xbf16>
      %dot_general3A = arith.constant dense<0.000000e+00> : vector<256x512xf32>
      %dot_general3A_11 = tpu.matmul %convert_element_type3A_5, %transpose3A, %dot_general3A {dimension_numbers = #tpu.dot_dimension_numbers<[1], [0], [0], [1], [0, 0, 1, 1], [], []>, transpose_lhs_hint = false} : vector<256x1024xbf16>, vector<1024x512xbf16>, vector<256x512xf32> -> vector<256x512xf32>
      %get3A_12 = arith.constant 0 : index
      %get3A_13 = arith.constant 0 : index
      %get3A_14 = arith.constant 0 : index
      %get3A_15 = vector.load %arg4[%get3A_12, %get3A_13, %get3A_14] : memref<1x512x1024xbf16, #tpu.memory_space<vmem>>, vector<1x512x1024xbf16>
      %get3A_16 = vector.shape_cast %get3A_15 : vector<1x512x1024xbf16> to vector<512x1024xbf16>
      %transpose3A_17 = tpu.transpose %get3A_16, [1, 0] : vector<512x1024xbf16> -> vector<1024x512xbf16>
      %dot_general3A_18 = arith.constant dense<0.000000e+00> : vector<256x512xf32>
      %dot_general3A_19 = tpu.matmul %convert_element_type3A_5, %transpose3A_17, %dot_general3A_18 {dimension_numbers = #tpu.dot_dimension_numbers<[1], [0], [0], [1], [0, 0, 1, 1], [], []>, transpose_lhs_hint = false} : vector<256x1024xbf16>, vector<1024x512xbf16>, vector<256x512xf32> -> vector<256x512xf32>
      %logistic3A = arith.negf %dot_general3A_11 : vector<256x512xf32>
      %logistic3A_20 = math.exp %logistic3A : vector<256x512xf32>
      %logistic3A_21 = arith.constant 1.000000e+00 : f32
      %logistic3A_22 = vector.broadcast %logistic3A_21 : f32 to vector<256x512xf32>
      %logistic3A_23 = arith.addf %logistic3A_22, %logistic3A_20 : vector<256x512xf32>
      %logistic3A_24 = arith.divf %logistic3A_22, %logistic3A_23 : vector<256x512xf32>
      %mul3A = arith.mulf %dot_general3A_11, %logistic3A_24 : vector<256x512xf32>
      %mul3A_25 = arith.mulf %mul3A, %dot_general3A_19 : vector<256x512xf32>
      %convert_element_type3A_26 = arith.truncf %mul3A_25 : vector<256x512xf32> to vector<256x512xbf16>
      %get3A_27 = arith.constant 0 : index
      %get3A_28 = arith.constant 0 : index
      %get3A_29 = arith.constant 0 : index
      %get3A_30 = vector.load %arg5[%get3A_27, %get3A_28, %get3A_29] : memref<1x1024x512xbf16, #tpu.memory_space<vmem>>, vector<1x1024x512xbf16>
      %get3A_31 = vector.shape_cast %get3A_30 : vector<1x1024x512xbf16> to vector<1024x512xbf16>
      %transpose3A_32 = tpu.transpose %get3A_31, [1, 0] : vector<1024x512xbf16> -> vector<512x1024xbf16>
      %dot_general3A_33 = arith.constant dense<0.000000e+00> : vector<256x1024xf32>
      %dot_general3A_34 = tpu.matmul %convert_element_type3A_26, %transpose3A_32, %dot_general3A_33 {dimension_numbers = #tpu.dot_dimension_numbers<[1], [0], [0], [1], [0, 0, 1, 1], [], []>, transpose_lhs_hint = false} : vector<256x512xbf16>, vector<512x1024xbf16>, vector<256x1024xf32> -> vector<256x1024xf32>
      %swap3A = arith.constant 0 : index
      %swap3A_35 = arith.constant 0 : index
      %swap3A_36 = vector.load %arg6[%swap3A, %swap3A_35] : memref<256x1024xf32, #tpu.memory_space<vmem>>, vector<256x1024xf32>
      tpu.vector_store %arg6[%swap3A, %swap3A_35], %dot_general3A_34 {strides = array<i32>} : memref<256x1024xf32, #tpu.memory_space<vmem>>, vector<256x1024xf32>,
    } else {
    }
    return
  }
  func.func @transform_0(%arg0: i32, %arg1: memref<64xi32, #tpu.memory_space<smem>>) -> (i32, i32) {
    %c0_i32 = arith.constant 0 : i32
    %c0_i32_0 = arith.constant 0 : i32
    return %arg0, %c0_i32 : i32, i32
  }
  func.func @transform_1(%arg0: i32, %arg1: memref<64xi32, #tpu.memory_space<smem>>) -> (i32, i32, i32) {
    %get3A = arith.index_cast %arg0 : i32 to index
    %get3A_0 = memref.load %arg1[%get3A] : memref<64xi32, #tpu.memory_space<smem>>
    %c0_i32 = arith.constant 0 : i32
    %c0_i32_1 = arith.constant 0 : i32
    %c0_i32_2 = arith.constant 0 : i32
    return %get3A_0, %c0_i32, %c0_i32_1 : i32, i32, i32
  }
  func.func @transform_2(%arg0: i32, %arg1: memref<64xi32, #tpu.memory_space<smem>>) -> (i32, i32, i32) {
    %get3A = arith.index_cast %arg0 : i32 to index
    %get3A_0 = memref.load %arg1[%get3A] : memref<64xi32, #tpu.memory_space<smem>>
    %c0_i32 = arith.constant 0 : i32
    %c0_i32_1 = arith.constant 0 : i32
    %c0_i32_2 = arith.constant 0 : i32
    return %get3A_0, %c0_i32, %c0_i32_1 : i32, i32, i32
  }
  func.func @transform_3(%arg0: i32, %arg1: memref<64xi32, #tpu.memory_space<smem>>) -> (i32, i32, i32) {
    %get3A = arith.index_cast %arg0 : i32 to index
    %get3A_0 = memref.load %arg1[%get3A] : memref<64xi32, #tpu.memory_space<smem>>
    %c0_i32 = arith.constant 0 : i32
    %c0_i32_1 = arith.constant 0 : i32
    %c0_i32_2 = arith.constant 0 : i32
    return %get3A_0, %c0_i32, %c0_i32_1 : i32, i32, i32
  }
  func.func @transform_4(%arg0: i32, %arg1: memref<64xi32, #tpu.memory_space<smem>>) -> (i32, i32) {
    %c0_i32 = arith.constant 0 : i32
    %c0_i32_0 = arith.constant 0 : i32
    return %arg0, %c0_i32 : i32, i32
  }
}

module attributes {stable_mosaic.version = 14 : i64} {
  func.func @_shared_combine_kernel(%arg0: i32, %arg1: memref<512x1024xf32, #tpu.memory_space<vmem>>, %arg2: memref<1024x1024xbf16, #tpu.memory_space<vmem>>, %arg3: memref<1024x1024xbf16, #tpu.memory_space<vmem>>, %arg4: memref<1024x1024xbf16, #tpu.memory_space<vmem>>, %arg5: memref<512x128xf32, #tpu.memory_space<vmem>>, %arg6: memref<512x1024xf32, #tpu.memory_space<vmem>>, %arg7: memref<512x1024xf32, #tpu.memory_space<vmem>>, %arg8: memref<512x1024xf32, #tpu.memory_space<vmem>>) attributes {dimension_semantics = [#tpu.dimension_semantics<arbitrary>], iteration_bounds = array<i64: 4>, scalar_prefetch = 0 : i64, scratch_operands = 0 : i64, tpu.core_type = #tpu.core_type<tc>, window_params = [{transform_indices = @transform_0, window_bounds = array<i64: 512, 1024>}, {pipeline_mode = #tpu.pipeline_mode<synchronous>, transform_indices = @transform_1, window_bounds = array<i64: 1024, 1024>}, {pipeline_mode = #tpu.pipeline_mode<synchronous>, transform_indices = @transform_2, window_bounds = array<i64: 1024, 1024>}, {pipeline_mode = #tpu.pipeline_mode<synchronous>, transform_indices = @transform_3, window_bounds = array<i64: 1024, 1024>}, {transform_indices = @transform_4, window_bounds = array<i64: 512, 128>}, {transform_indices = @transform_5, window_bounds = array<i64: 512, 1024>}, {transform_indices = @transform_6, window_bounds = array<i64: 512, 1024>}, {transform_indices = @transform_7, window_bounds = array<i64: 512, 1024>}]} {
    %get3A = arith.constant 0 : index
    %get3A_0 = arith.constant 0 : index
    %get3A_1 = vector.load %arg1[%get3A, %get3A_0] : memref<512x1024xf32, #tpu.memory_space<vmem>>, vector<512x1024xf32>
    %convert_element_type3A = arith.truncf %get3A_1 : vector<512x1024xf32> to vector<512x1024xbf16>
    %get3A_2 = arith.constant 0 : index
    %get3A_3 = arith.constant 0 : index
    %get3A_4 = vector.load %arg2[%get3A_2, %get3A_3] : memref<1024x1024xbf16, #tpu.memory_space<vmem>>, vector<1024x1024xbf16>
    %transpose3A = tpu.transpose %get3A_4, [1, 0] : vector<1024x1024xbf16> -> vector<1024x1024xbf16>
    %dot_general3A = arith.constant dense<0.000000e+00> : vector<512x1024xf32>
    %dot_general3A_5 = tpu.matmul %convert_element_type3A, %transpose3A, %dot_general3A {dimension_numbers = #tpu.dot_dimension_numbers<[1], [0], [0], [1], [0, 0, 1, 1], [], []>, transpose_lhs_hint = false} : vector<512x1024xbf16>, vector<1024x1024xbf16>, vector<512x1024xf32> -> vector<512x1024xf32>
    %get3A_6 = arith.constant 0 : index
    %get3A_7 = arith.constant 0 : index
    %get3A_8 = vector.load %arg3[%get3A_6, %get3A_7] : memref<1024x1024xbf16, #tpu.memory_space<vmem>>, vector<1024x1024xbf16>
    %transpose3A_9 = tpu.transpose %get3A_8, [1, 0] : vector<1024x1024xbf16> -> vector<1024x1024xbf16>
    %dot_general3A_10 = arith.constant dense<0.000000e+00> : vector<512x1024xf32>
    %dot_general3A_11 = tpu.matmul %convert_element_type3A, %transpose3A_9, %dot_general3A_10 {dimension_numbers = #tpu.dot_dimension_numbers<[1], [0], [0], [1], [0, 0, 1, 1], [], []>, transpose_lhs_hint = false} : vector<512x1024xbf16>, vector<1024x1024xbf16>, vector<512x1024xf32> -> vector<512x1024xf32>
    %logistic3A = arith.negf %dot_general3A_5 : vector<512x1024xf32>
    %logistic3A_12 = math.exp %logistic3A : vector<512x1024xf32>
    %logistic3A_13 = arith.constant 1.000000e+00 : f32
    %logistic3A_14 = vector.broadcast %logistic3A_13 : f32 to vector<512x1024xf32>
    %logistic3A_15 = arith.addf %logistic3A_14, %logistic3A_12 : vector<512x1024xf32>
    %logistic3A_16 = arith.divf %logistic3A_14, %logistic3A_15 : vector<512x1024xf32>
    %mul3A = arith.mulf %dot_general3A_5, %logistic3A_16 : vector<512x1024xf32>
    %mul3A_17 = arith.mulf %mul3A, %dot_general3A_11 : vector<512x1024xf32>
    %convert_element_type3A_18 = arith.truncf %mul3A_17 : vector<512x1024xf32> to vector<512x1024xbf16>
    %get3A_19 = arith.constant 0 : index
    %get3A_20 = arith.constant 0 : index
    %get3A_21 = vector.load %arg4[%get3A_19, %get3A_20] : memref<1024x1024xbf16, #tpu.memory_space<vmem>>, vector<1024x1024xbf16>
    %transpose3A_22 = tpu.transpose %get3A_21, [1, 0] : vector<1024x1024xbf16> -> vector<1024x1024xbf16>
    %dot_general3A_23 = arith.constant dense<0.000000e+00> : vector<512x1024xf32>
    %dot_general3A_24 = tpu.matmul %convert_element_type3A_18, %transpose3A_22, %dot_general3A_23 {dimension_numbers = #tpu.dot_dimension_numbers<[1], [0], [0], [1], [0, 0, 1, 1], [], []>, transpose_lhs_hint = false} : vector<512x1024xbf16>, vector<1024x1024xbf16>, vector<512x1024xf32> -> vector<512x1024xf32>
    %get3A_25 = arith.constant 0 : index
    %get3A_26 = arith.constant 0 : index
    %get3A_27 = vector.load %arg5[%get3A_25, %get3A_26] : memref<512x128xf32, #tpu.memory_space<vmem>>, vector<512x1xf32>
    %get3A_28 = arith.constant 0 : index
    %get3A_29 = arith.constant 1 : index
    %get3A_30 = vector.load %arg5[%get3A_28, %get3A_29] : memref<512x128xf32, #tpu.memory_space<vmem>>, vector<512x1xf32>
    %get3A_31 = arith.constant 0 : index
    %get3A_32 = arith.constant 0 : index
    %get3A_33 = vector.load %arg6[%get3A_31, %get3A_32] : memref<512x1024xf32, #tpu.memory_space<vmem>>, vector<512x1024xf32>
    %mul3A_34 = vector.broadcast %get3A_27 : vector<512x1xf32> to vector<512x1024xf32>
    %mul3A_35 = arith.mulf %get3A_33, %mul3A_34 : vector<512x1024xf32>
    %get3A_36 = arith.constant 0 : index
    %get3A_37 = arith.constant 0 : index
    %get3A_38 = vector.load %arg7[%get3A_36, %get3A_37] : memref<512x1024xf32, #tpu.memory_space<vmem>>, vector<512x1024xf32>
    %mul3A_39 = vector.broadcast %get3A_30 : vector<512x1xf32> to vector<512x1024xf32>
    %mul3A_40 = arith.mulf %get3A_38, %mul3A_39 : vector<512x1024xf32>
    %add3A = arith.addf %mul3A_35, %mul3A_40 : vector<512x1024xf32>
    %add3A_41 = arith.addf %add3A, %dot_general3A_24 : vector<512x1024xf32>
    %swap3A = arith.constant 0 : index
    %swap3A_42 = arith.constant 0 : index
    %swap3A_43 = vector.load %arg8[%swap3A, %swap3A_42] : memref<512x1024xf32, #tpu.memory_space<vmem>>, vector<512x1024xf32>
    tpu.vector_store %arg8[%swap3A, %swap3A_42], %add3A_41 {strides = array<i32>} : memref<512x1024xf32, #tpu.memory_space<vmem>>, vector<512x1024xf32>,
    return
  }
  func.func @transform_0(%arg0: i32) -> (i32, i32) {
    %c0_i32 = arith.constant 0 : i32
    %c0_i32_0 = arith.constant 0 : i32
    return %arg0, %c0_i32 : i32, i32
  }
  func.func @transform_1(%arg0: i32) -> (i32, i32) {
    %c0_i32 = arith.constant 0 : i32
    %c0_i32_0 = arith.constant 0 : i32
    %c0_i32_1 = arith.constant 0 : i32
    return %c0_i32, %c0_i32_0 : i32, i32
  }
  func.func @transform_2(%arg0: i32) -> (i32, i32) {
    %c0_i32 = arith.constant 0 : i32
    %c0_i32_0 = arith.constant 0 : i32
    %c0_i32_1 = arith.constant 0 : i32
    return %c0_i32, %c0_i32_0 : i32, i32
  }
  func.func @transform_3(%arg0: i32) -> (i32, i32) {
    %c0_i32 = arith.constant 0 : i32
    %c0_i32_0 = arith.constant 0 : i32
    %c0_i32_1 = arith.constant 0 : i32
    return %c0_i32, %c0_i32_0 : i32, i32
  }
  func.func @transform_4(%arg0: i32) -> (i32, i32) {
    %c0_i32 = arith.constant 0 : i32
    %c0_i32_0 = arith.constant 0 : i32
    return %arg0, %c0_i32 : i32, i32
  }
  func.func @transform_5(%arg0: i32) -> (i32, i32) {
    %c0_i32 = arith.constant 0 : i32
    %c0_i32_0 = arith.constant 0 : i32
    return %arg0, %c0_i32 : i32, i32
  }
  func.func @transform_6(%arg0: i32) -> (i32, i32) {
    %c0_i32 = arith.constant 0 : i32
    %c0_i32_0 = arith.constant 0 : i32
    return %arg0, %c0_i32 : i32, i32
  }
  func.func @transform_7(%arg0: i32) -> (i32, i32) {
    %c0_i32 = arith.constant 0 : i32
    %c0_i32_0 = arith.constant 0 : i32
    return %arg0, %c0_i32 : i32, i32
  }
}

</mosaic_0001>

<sc_bundles>
// kernel: kernel.10.cloned.1.call-start
scs
__scs_entry_jumppad:
0x0: {  	(pc) =	sbr.rel $0x88, $3  }
0x1: {  	(tag) =	ssettag $0x0;
	lr =	simm.s32 $0x1  }
0x2: {  	[smem:$0x3F99] =	sst lr;
	_ =	strace $0xD0000000  }
0x3: {  	_ = 	snop  }
0x4: {  	_ = 	snop  }
0x5: {  	_ = 	snop  }
0x6: {  	_ = 	snop  }
0x7: {  	_ = 	snop  }
__scs_overlays_trampoline_lowered:
0x8: {  	[smem:$0x3FA8] =	sst s0  }
0x9: {  	[smem:$0x3FA9] =	sst s1  }
0xa: {  	[smem:$0x3FAA] =	sst s2  }
0xb: {  	[smem:$0x3FAB] =	sst s3  }
0xc: {  	[smem:$0x3FAC] =	sst s4  }
0xd: {  	[smem:$0x3FAD] =	sst s5  }
0xe: {  	[smem:$0x3FAE] =	sst s6  }
0xf: {  	[smem:$0x3FAF] =	sst s7  }
0x10: {  	[smem:$0x3FB0] =	sst s8  }
0x11: {  	[smem:$0x3FB1] =	sst s9;
	s0 =	simm.s32 @!p0 $0x0  }
0x12: {  	s1 =	sld [smem:$0x3F97];
	s0 =	simm.s32 @p0 $0x1  }
0x13: {  	[smem:$0x3FB2] =	sst s0;
	s0 =	simm.s32 @!p1 $0x0  }
0x14: {  	s2 =	sld [smem:$0x3F96];
	s0 =	simm.s32 @p1 $0x1  }
0x15: {  	[smem:$0x3FB3] =	sst s0;
	s0 =	simm.s32 @!p2 $0x0  }
0x16: {  	s3 =	sld [smem:$0x3FDB];
	s0 =	simm.s32 @p2 $0x1  }
0x17: {  	s4 =	simm.s32 $0x1BF5;
	[smem:$0x3FB5] =	sst s0  }
0x18: {  	s0 =	sld [smem:$0x3F98];
	_ =	swait.ge [sflag:s4], $0x0  }
0x19: {  	s7 =	sld [smem:$0x3F99]  }
0x1a: {  	s8 =	sadd.s32 $0xFFFFE003, lr  }
0x1b: {  	s9 =	sadd.s32 $0xFFFFFEF7, lr;
	s5 =	simm.s32 $0xFFFFFFFF;
	p2 =	slt.u32 s8, $0xFFFFF086  }
0x1c: {  	p1 =	slt.u32 s9, $0xF7A;
	s5 =	simm.s32 @!p2 $0x0  }
0x1d: {  	s5 =	simm.s32 @p1 $0x1;
	p0 =	seq.s32 s7, s2  }
0x1e: {  	s7 =	smul.u32 @!p0 $0xF7A, s2;
	p2 =	seq.s32 @!p0 s5, $0x0  }
0x1f: {  	s9 =	smul.u32 $0xF7A, s1;
	s8 =	simm.s32 @!p0 $0x1BF5;
	p2 =	por !p2, p0  }
0x20: {  	[sflag:s8] =	ssyncset.s32 @!p0 $0xFFFFF086;
	s6 =	sadd.s32 @!p0 s3, s7;
	s7 =	simm.s32 @!p0 $0x108  }
0x21: {  	s3 =	sadd.s32 s3, s9;
	s6 =	sadd.s32 @!p0 $0x88, s6;
	s7 =	simm.s32 @p2 $0x1082  }
0x22: {  	[simem:s7], [sflag:s8] =	dma.local @!p0 [hbm:s6], $0xF7A  }
0x23: {  	s9 =	sor.u32 $0xD0000000, s2;
	s6 =	simm.s32 $0x108;
	_ =	swait.ge @!p0 [sflag:s8], $0x0  }
0x24: {  	s3 =	sadd.s32 $0x88, s3;
	s6 =	simm.s32 @!p1 $0x1082;
	[sflag:s4] =	ssyncset.s32 $0xFFFFF086  }
0x25: {  	[simem:s6], [sflag:s4] =	dma.local [hbm:s3], $0xF7A  }
0x26: {  	[smem:$0x3F99] =	sst s1;
	(tag) =	ssettag s2;
	_ =	strace s9  }
0x27: {  	s1 =	sld [smem:$0x3FA9]  }
0x28: {  	s2 =	sld [smem:$0x3FAA]  }
0x29: {  	s4 =	sld [smem:$0x3FAC]  }
0x2a: {  	p0 =	seq.s32 s5, $0x0;
	s5 =	sld [smem:$0x3FAD]  }
0x2b: {  	s6 =	sld [smem:$0x3FAE]  }
0x2c: {  	s7 =	sld [smem:$0x3FAF]  }
0x2d: {  	s3 =	simm.s32 $0x108;
	s8 =	sld [smem:$0x3FB0]  }
0x2e: {  	s3 =	simm.s32 @!p0 $0x1082;
	s9 =	sld [smem:$0x3FB1]  }
0x2f: {  	lr =	sadd.s32 s0, s3;
	s0 =	sld [smem:$0x3FA8]  }
0x30: {  	s3 =	sld [smem:$0x3FAB]  }
0x31: {  	[smem:$0x3FB4] =	sst s10  }
0x32: {  	s10 =	sld [smem:$0x3FB2];
	_ =	sdelay $0x3  }
0x33: {  	p0 =	seq.s32 s10, $0x1;
	s10 =	sld [smem:$0x3FB4];
	_ =	sdelay $0x3  }
0x34: {  	[smem:$0x3FB4] =	sst s10  }
0x35: {  	s10 =	sld [smem:$0x3FB3];
	_ =	sdelay $0x3  }
0x36: {  	p1 =	seq.s32 s10, $0x1;
	s10 =	sld [smem:$0x3FB4];
	_ =	sdelay $0x3  }
0x37: {  	[smem:$0x3FB4] =	sst s10  }
0x38: {  	s10 =	sld [smem:$0x3FB5]  }
0x39: {  	_ = 	snop;
	(pc) =	sbr.ind lr, $3  }
0x3a: {  	_ = 	snop  }
0x3b: {  	_ = 	snop  }
0x3c: {  	p2 =	seq.s32 s10, $0x1;
	s10 =	sld [smem:$0x3FB4]  }
0x3d: {  	_ =	shalt  }
0x3e: {  	_ =	shalt  }
0x3f: {  	_ =	shalt  }
0x40: {  	_ =	shalt  }
0x41: {  	_ =	shalt  }
0x42: {  	_ =	shalt  }
0x43: {  	_ =	shalt  }
0x44: {  	_ =	shalt  }
0x45: {  	_ =	shalt  }
0x46: {  	_ =	shalt  }
0x47: {  	_ =	shalt  }
0x48: {  	_ =	shalt  }
0x49: {  	_ =	shalt  }
0x4a: {  	_ =	shalt  }
0x4b: {  	_ =	shalt  }
0x4c: {  	_ =	shalt  }
0x4d: {  	_ =	shalt  }
0x4e: {  	_ =	shalt  }
0x4f: {  	_ =	shalt  }
0x50: {  	_ =	shalt  }
0x51: {  	_ =	shalt  }
0x52: {  	_ =	shalt  }
0x53: {  	_ =	shalt  }
0x54: {  	_ =	shalt  }
0x55: {  	_ =	shalt  }
0x56: {  	_ =	shalt  }
0x57: {  	_ =	shalt  }
0x58: {  	_ =	shalt  }
0x59: {  	_ =	shalt  }
0x5a: {  	_ =	shalt  }
0x5b: {  	_ =	shalt  }
0x5c: {  	_ =	shalt  }
0x5d: {  	_ =	shalt  }
0x5e: {  	_ =	shalt  }
0x5f: {  	_ =	shalt  }
0x60: {  	_ =	shalt  }
0x61: {  	_ =	shalt  }
0x62: {  	_ =	shalt  }
0x63: {  	_ =	shalt  }
0x64: {  	_ =	shalt  }
0x65: {  	_ =	shalt  }
0x66: {  	_ =	shalt  }
0x67: {  	_ =	shalt  }
0x68: {  	_ =	shalt  }
0x69: {  	_ =	shalt  }
0x6a: {  	_ =	shalt  }
0x6b: {  	_ =	shalt  }
0x6c: {  	_ =	shalt  }
0x6d: {  	_ =	shalt  }
0x6e: {  	_ =	shalt  }
0x6f: {  	_ =	shalt  }
0x70: {  	_ =	shalt  }
0x71: {  	_ =	shalt  }
0x72: {  	_ =	shalt  }
0x73: {  	_ =	shalt  }
0x74: {  	_ =	shalt  }
0x75: {  	_ =	shalt  }
0x76: {  	_ =	shalt  }
0x77: {  	_ =	shalt  }
0x78: {  	_ =	shalt  }
0x79: {  	_ =	shalt  }
0x7a: {  	_ =	shalt  }
0x7b: {  	_ =	shalt  }
0x7c: {  	_ =	shalt  }
0x7d: {  	_ =	shalt  }
0x7e: {  	_ =	shalt  }
0x7f: {  	_ =	shalt  }
0x80: {  	_ =	shalt  }
0x81: {  	_ =	shalt  }
0x82: {  	_ =	shalt  }
0x83: {  	_ =	shalt  }
0x84: {  	_ =	shalt  }
0x85: {  	_ =	shalt  }
0x86: {  	_ =	shalt  }
0x87: {  	_ =	shalt  }
.Lfunc_end0:
.L_simem_size_0:
called_computation.1_lowered:
.L_overlay_start_0:
0x88: {  	s2 =	sld [smem:$0x3FD9]  }
0x89: {  	s3 =	sld [smem:$0x3FFE];
	_ =	sdelay $0x1  }
0x8a: {  	s1 =	srdreg.scid  }
0x8b: {  	s0 =	sand.u32 $0x1, s1  }
0x8c: {  	s16 =	sshll.u32 s0, $0xA;
	s2 =	sadd.s32 s3, s2  }
0x8d: {  	s2 =	sadd.s32 s2, s16  }
0x8e: {  	[smem:$0x3FC0] =	sst s2  }
0x8f: {  	_ = 	snop  }
0x90: {  	(tm) =	ssettm $0x1  }
0x91: {  	s17 =	sld [smem:$0x3FFB];
	_ =	sdelay $0x3  }
0x92: {  	_ =	strace s17  }
0x93: {  	s2 =	sld [smem:$0x3FFC];
	_ =	sdelay $0x3  }
0x94: {  	_ =	strace s2  }
0x95: {  	s2 =	sld [smem:$0x3FFD];
	_ =	sdelay $0x3  }
0x96: {  	_ =	strace s2  }
0x97: {  	_ =	strace $0x8FFFFFFF  }
0x98: {  	s18 =	sld [smem:$0x3FDB];
	_ =	sdelay $0x1  }
0x99: {  	s19 =	simm.s32 $_scs_section_size  }
0x9a: {  	s4 =	simm.s32 $_size__tile_overlayer_lowered;
	s5 =	simm.s32 $_tile_overlayer_lowered  }
0x9b: {  	s22 =	simm.s32 $0x1BFF;
	s21 =	sshll.u32 s5, $0x1;
	s2 =	sadd.s32 s19, s18  }
0x9c: {  	s6 =	simm.s32 $0x0;
	s20 =	sshll.u32 s4, $0x1;
	s4 =	sadd.s32 s21, s2  }
0x9d: {  	[timem:s6], [sflag:s22] =	dma.local [hbm:s4], s20  }
0x9e: {  	_ =	swait.ge [sflag:s22], s20  }
0x9f: {  	s3 =	ssub.s32 $0x0, s20;
	[sflag:s22] =	ssyncset.done $0x0  }
0xa0: {  	[sflag:s22] =	ssyncadd.s32 s3;
	_ =	sdelay $0x1  }
0xa1: {  	s23 =	simm.s32 $0x1B8B  }
0xa2: {  	_ =	swait.ge [sflag:s23], $0x1  }
0xa3: {  	[sflag:s23] =	ssyncset.done $0x0  }
0xa4: {  	s25 =	simm.s32 $0x1B8E;
	s24 =	sld [smem:$0x3FFE];
	[sflag:s23] =	ssyncadd.s32 $0xFFFFFFFF  }
0xa5: {  	s26 =	simm.s32 $execute0_lowered;
	[smem:$0x3FD2] =	sst s25  }
0xa6: {  	s4 =	sshll.u32 s26, $0x1;
	_ =	strace $0x80000049;
	[dreg:$0x1] =	wrdreg $0xFFFFFFFF  }
0xa7: {  	s28 =	simm.s32 $_size_execute0_lowered;
	s2 =	sadd.s32 s2, s4;
	[dreg:$0x0] =	wrdreg $0x0  }
0xa8: {  	s4 =	sshll.u32 s28, $0x1;
	[dreg:$0x2] =	wrdreg s2  }
0xa9: {  	[dreg:$0x3] =	wrdreg s4  }
0xaa: {  	[dreg:$0x4] =	wrdreg $0xC0  }
0xab: {  	_ =	task [dreg:s6], $0x5FFFF  }
0xac: {  	[dreg:$0x1] =	wrdreg $0xFFFFFFFF  }
0xad: {  	[dreg:$0x0] =	wrdreg $0x60  }
0xae: {  	[dreg:$0x2] =	wrdreg s24  }
0xaf: {  	[dreg:$0x3] =	wrdreg $0x9  }
0xb0: {  	_ =	task.clear_ibuf [dreg:s6], $0x4FFFF;
	_ =	strace $0x90000049  }
0xb1: {  	s29 =	simm.s32 $0x9;
	_ =	strace $0x8000004B  }
0xb2: {  	_ =	swait.ge [sflag:s29], $0x1  }
0xb3: {  	[sflag:s29] =	ssyncadd.s32 $0xFFFFFFFF  }
0xb4: {  	_ =	strace $0x9000004B  }
0xb5: {  	_ =	sfence  }
0xb6: {  	s30 =	sld [smem:$0x0];
	_ =	sdelay $0x2  }
0xb7: {  	s31 =	sshll.u32 s1, $0xD;
	s1 =	sshrl.u32 s1, $0x2  }
0xb8: {  	s3 =	sand.u32 $0x4000, s31;
	s1 =	sadd.s32 s1, s30  }
0xb9: {  	s0 =	sor.u32 s3, s0;
	s1 =	sshll.u32 s1, $0x11  }
0xba: {  	s0 =	sor.u32 s1, s0  }
0xbb: {  	s0 =	sadd.s32 $0x8F2B, s0  }
0xbc: {  	[sflag:s0] =	ssyncadd.remote.s32 $0x1  }
0xbd: {  	_ =	sfence.sel $0xFFFF  }
0xbe: {  	[dreg:$0x0] =	wrdreg $0xFFFFFFFF;
	(pc) =	sbr.abs _section_cstart, $3  }
0xbf: {  	[dreg:$0x1] =	wrdreg $0xFFFFFFFF  }
0xc0: {  	_ =	task.clear_ibuf [dreg:s6], $0x2FFFF;
	_ =	strace $0x9FFFFFFF  }
0xc1: {  	(tm) =	ssettm $0x7FFFFFFF  }
tec
execute0_lowered:
.L_overlay_start_1:
0x0: {  	(tag) =	ssettag $0x1  }
0x1: {  	s0 =	srdreg.scid  }
0x2: {  	s2 =	stileid.u32;
	s1 =	rddreg [dreg:$0x0];
	s18 =	simm.s32 $0x1  }
0x3: {  	s20 =	simm.s32 $0x880;
	s21 =	simm.s32 $0x1080;
	s22 =	simm.s32 $0x1880  }
0x4: {  	s23 =	simm.s32 $0x2080;
	s28 =	simm.s32 $0x4080;
	s29 =	simm.s32 $0x4880  }
0x5: {  	s30 =	simm.s32 $0x5080;
	s31 =	simm.s32 $0x5880;
	s10 =	simm.s32 $0x7080  }
0x6: {  	s11 =	simm.s32 $0x7880;
	s12 =	simm.s32 $0x8080;
	s13 =	simm.s32 $0x8880  }
0x7: {  	s14 =	simm.s32 $0x9080;
	s15 =	simm.s32 $0x9880;
	s16 =	simm.s32 $0xA080  }
0x8: {  	s0 =	sand.u32 $0x1, s0;
	s3 =	sshll.u32 s2, $0x7;
	s2 =	simm.s32 $0x0  }
0x9: {  	s17 =	simm.s32 $0xA880;
	s4 =	sshll.u32 s0, $0x6;
	[smem:$0x7FF] =	sst s2  }
0xa: {  	s0 =	ssub.s32 $0x2, s0;
	s4 =	sor.u32 s4, s3;
	_ =	strace $0x8000004A  }
0xb: {  	s5 =	sshrl.u32 s0, $0x1;
	s3 =	sshrl.u32 s4, $0x3;
	s4 =	sshll.u32 s4, $0x7  }
0xc: {  	s0 =	ssub.s32 s0, s5;
	s5 =	sadd.s32 $0xCB600, s1;
	s6 =	sadd.s32 s3, s1  }
0xd: {  	s3 =	sadd.s32 $0xCB400, s1;
	s7 =	sadd.s32 s4, s1;
	s24 =	sadd.s32 $0xB200, s6  }
0xe: {  	s4 =	sadd.s32 $0xCB500, s1;
	s8 =	sadd.s32 $0xB400, s7;
	[dreg:$0x2] =	wrdreg s24  }
0xf: {  	s25 =	sadd.s32 $0xB000, s6;
	s6 =	sadd.s32 $0xCB700, s1;
	[dreg:$0x3] =	wrdreg s8  }
0x10: {  	v2 =	vlaneseq.u32;
	s26 =	sadd.s32 $0x4B400, s7;
	s7 =	smax.u32 s0, $0x1;
	[dreg:$0x4] =	wrdreg s25  }
0x11: {  	vm0 =	vmmov $0xffff;
	v1 =	vshrl.u32 v2, $0x3;
	s0 =	simm.s32 $0x80;
	[dreg:$0x5] =	wrdreg s26;
	s8 =	simm.s32 $0x2  }
0x12: {  	v0 =	vand.u32 $0x7, v2;
	v2 =	vor.u32 $0x8, v2;
	v1 =	vmul.u32 $0x8, v1;
	s24 =	simm.s32 $0x2880;
	s25 =	simm.s32 $0x3080;
	s26 =	simm.s32 $0x3880  }
.LBB2_1:
0x13: {  	s19 =	rddreg [dreg:$0x2]  }
0x14: {  	[tilespmem:s2], [sflag:$0x2] =	stream.linear.gather [hbm4b:s19+s2], $0x40, $0x38;
	[tilespmem:$0x10080] =	vst v63  }
0x15: {  	_ =	swait.ge [sflag:s8], $0x40  }
0x16: {  	[sflag:s8] =	ssyncset.done $0x0  }
0x17: {  	[sflag:s8] =	ssyncadd.s32 $0xFFFFFFC0  }
0x18: {  	v3 =	vld [tilespmem:$0x0];
	_ =	sdelay $0x4  }
0x19: {  	v4 =	vshll.u32 v3, $0x3  }
0x1a: {  	v3 =	vand.u32 $0x7, v3;
	v4 =	vand.u32 $0xFFFFFFC0, v4  }
0x1b: {  	v3 =	vor.u32 v3, v4  }
0x1c: {  	v4 =	vperm.xlane v3, v0;
	_ =	sdelay $0x1  }
0x1d: {  	v4 =	vadd.s32 v1, v4;
	_ =	sdelay $0x4  }
0x1e: {  	[tilespmem:s0], [sflag:$0x1] =	stream.indirect_vreg.gather [hbm4b:s3+s2], $0x80, v4, vm0, $0xb8;
	[tilespmem:$0x10080] =	vst v63  }
0x1f: {  	v3 =	vperm.xlane v3, v2  }
0x20: {  	[tilespmem:s20], [sflag:$0x1] =	stream.indirect_vreg.gather [hbm4b:s4+s2], $0x80, v4, vm0, $0xb8;
	[tilespmem:$0x10080] =	vst v63  }
0x21: {  	v3 =	vadd.s32 v1, v3  }
0x22: {  	[tilespmem:s21], [sflag:$0x1] =	stream.indirect_vreg.gather [hbm4b:s5+s2], $0x80, v4, vm0, $0xb8;
	[tilespmem:$0x10080] =	vst v63  }
0x23: {  	_ = 	snop  }
0x24: {  	[tilespmem:s22], [sflag:$0x1] =	stream.indirect_vreg.gather [hbm4b:s6+s2], $0x80, v4, vm0, $0xb8;
	[tilespmem:$0x10080] =	vst v63  }
0x25: {  	_ = 	snop  }
0x26: {  	[tilespmem:s23], [sflag:$0x1] =	stream.indirect_vreg.gather [hbm4b:s3+s2], $0x80, v3, vm0, $0xb8;
	[tilespmem:$0x10080] =	vst v63  }
0x27: {  	_ = 	snop  }
0x28: {  	[tilespmem:s24], [sflag:$0x1] =	stream.indirect_vreg.gather [hbm4b:s4+s2], $0x80, v3, vm0, $0xb8;
	[tilespmem:$0x10080] =	vst v63  }
0x29: {  	_ = 	snop  }
0x2a: {  	[tilespmem:s25], [sflag:$0x1] =	stream.indirect_vreg.gather [hbm4b:s5+s2], $0x80, v3, vm0, $0xb8;
	[tilespmem:$0x10080] =	vst v63  }
0x2b: {  	_ = 	snop  }
0x2c: {  	[tilespmem:s26], [sflag:$0x1] =	stream.indirect_vreg.gather [hbm4b:s6+s2], $0x80, v3, vm0, $0xb8;
	[tilespmem:$0x10080] =	vst v63  }
0x2d: {  	v3 =	vld [tilespmem:$0x10];
	_ =	sdelay $0x4  }
0x2e: {  	v57 =	vshll.u32 v3, $0x3  }
0x2f: {  	v3 =	vand.u32 $0x7, v3;
	v4 =	vand.u32 $0xFFFFFFC0, v57  }
0x30: {  	v3 =	vor.u32 v3, v4  }
0x31: {  	v4 =	vperm.xlane v3, v0;
	_ =	sdelay $0x1  }
0x32: {  	v4 =	vadd.s32 v1, v4;
	_ =	sdelay $0x4  }
0x33: {  	[tilespmem:s28], [sflag:$0x1] =	stream.indirect_vreg.gather [hbm4b:s3+s2], $0x80, v4, vm0, $0xb8;
	[tilespmem:$0x10080] =	vst v63  }
0x34: {  	v3 =	vperm.xlane v3, v2  }
0x35: {  	[tilespmem:s29], [sflag:$0x1] =	stream.indirect_vreg.gather [hbm4b:s4+s2], $0x80, v4, vm0, $0xb8;
	[tilespmem:$0x10080] =	vst v63  }
0x36: {  	v3 =	vadd.s32 v1, v3  }
0x37: {  	[tilespmem:s30], [sflag:$0x1] =	stream.indirect_vreg.gather [hbm4b:s5+s2], $0x80, v4, vm0, $0xb8;
	[tilespmem:$0x10080] =	vst v63  }
0x38: {  	_ = 	snop  }
0x39: {  	[tilespmem:s31], [sflag:$0x1] =	stream.indirect_vreg.gather [hbm4b:s6+s2], $0x80, v4, vm0, $0xb8;
	[tilespmem:$0x10080] =	vst v63  }
0x3a: {  	s1 =	simm.s32 $0x6080  }
0x3b: {  	[tilespmem:s1], [sflag:$0x1] =	stream.indirect_vreg.gather [hbm4b:s3+s2], $0x80, v3, vm0, $0xb8;
	[tilespmem:$0x10080] =	vst v63  }
0x3c: {  	s9 =	simm.s32 $0x6880  }
0x3d: {  	[tilespmem:s9], [sflag:$0x1] =	stream.indirect_vreg.gather [hbm4b:s4+s2], $0x80, v3, vm0, $0xb8;
	[tilespmem:$0x10080] =	vst v63  }
0x3e: {  	_ = 	snop  }
0x3f: {  	[tilespmem:s10], [sflag:$0x1] =	stream.indirect_vreg.gather [hbm4b:s5+s2], $0x80, v3, vm0, $0xb8;
	[tilespmem:$0x10080] =	vst v63  }
0x40: {  	_ = 	snop  }
0x41: {  	[tilespmem:s11], [sflag:$0x1] =	stream.indirect_vreg.gather [hbm4b:s6+s2], $0x80, v3, vm0, $0xb8;
	[tilespmem:$0x10080] =	vst v63  }
0x42: {  	v3 =	vld [tilespmem:$0x20];
	_ =	sdelay $0x4  }
0x43: {  	v58 =	vshll.u32 v3, $0x3  }
0x44: {  	v3 =	vand.u32 $0x7, v3;
	v4 =	vand.u32 $0xFFFFFFC0, v58  }
0x45: {  	v3 =	vor.u32 v3, v4  }
0x46: {  	v4 =	vperm.xlane v3, v0;
	_ =	sdelay $0x1  }
0x47: {  	v4 =	vadd.s32 v1, v4;
	_ =	sdelay $0x4  }
0x48: {  	[tilespmem:s12], [sflag:$0x1] =	stream.indirect_vreg.gather [hbm4b:s3+s2], $0x80, v4, vm0, $0xb8;
	[tilespmem:$0x10080] =	vst v63  }
0x49: {  	v3 =	vperm.xlane v3, v2  }
0x4a: {  	[tilespmem:s13], [sflag:$0x1] =	stream.indirect_vreg.gather [hbm4b:s4+s2], $0x80, v4, vm0, $0xb8;
	[tilespmem:$0x10080] =	vst v63  }
0x4b: {  	v3 =	vadd.s32 v1, v3  }
0x4c: {  	[tilespmem:s14], [sflag:$0x1] =	stream.indirect_vreg.gather [hbm4b:s5+s2], $0x80, v4, vm0, $0xb8;
	[tilespmem:$0x10080] =	vst v63  }
0x4d: {  	_ = 	snop  }
0x4e: {  	[tilespmem:s15], [sflag:$0x1] =	stream.indirect_vreg.gather [hbm4b:s6+s2], $0x80, v4, vm0, $0xb8;
	[tilespmem:$0x10080] =	vst v63  }
0x4f: {  	_ = 	snop  }
0x50: {  	[tilespmem:s16], [sflag:$0x1] =	stream.indirect_vreg.gather [hbm4b:s3+s2], $0x80, v3, vm0, $0xb8;
	[tilespmem:$0x10080] =	vst v63  }
0x51: {  	_ = 	snop  }
0x52: {  	[tilespmem:s17], [sflag:$0x1] =	stream.indirect_vreg.gather [hbm4b:s4+s2], $0x80, v3, vm0, $0xb8;
	[tilespmem:$0x10080] =	vst v63  }
0x53: {  	s9 =	simm.s32 $0xB080  }
0x54: {  	[tilespmem:s9], [sflag:$0x1] =	stream.indirect_vreg.gather [hbm4b:s5+s2], $0x80, v3, vm0, $0xb8;
	[tilespmem:$0x10080] =	vst v63  }
0x55: {  	s19 =	simm.s32 $0xB880  }
0x56: {  	[tilespmem:s19], [sflag:$0x1] =	stream.indirect_vreg.gather [hbm4b:s6+s2], $0x80, v3, vm0, $0xb8;
	[tilespmem:$0x10080] =	vst v63  }
0x57: {  	v3 =	vld [tilespmem:$0x30];
	_ =	sdelay $0x4  }
0x58: {  	v59 =	vshll.u32 v3, $0x3  }
0x59: {  	v3 =	vand.u32 $0x7, v3;
	v4 =	vand.u32 $0xFFFFFFC0, v59  }
0x5a: {  	v3 =	vor.u32 v3, v4  }
0x5b: {  	v4 =	vperm.xlane v3, v0;
	_ =	sdelay $0x1  }
0x5c: {  	v4 =	vadd.s32 v1, v4;
	_ =	sdelay $0x3  }
0x5d: {  	s19 =	simm.s32 $0xC080  }
0x5e: {  	[tilespmem:s19], [sflag:$0x1] =	stream.indirect_vreg.gather [hbm4b:s3+s2], $0x80, v4, vm0, $0xb8;
	[tilespmem:$0x10080] =	vst v63  }
0x5f: {  	v3 =	vperm.xlane v3, v2;
	s19 =	simm.s32 $0xC880  }
0x60: {  	[tilespmem:s19], [sflag:$0x1] =	stream.indirect_vreg.gather [hbm4b:s4+s2], $0x80, v4, vm0, $0xb8;
	[tilespmem:$0x10080] =	vst v63  }
0x61: {  	v3 =	vadd.s32 v1, v3;
	s19 =	simm.s32 $0xD080  }
0x62: {  	[tilespmem:s19], [sflag:$0x1] =	stream.indirect_vreg.gather [hbm4b:s5+s2], $0x80, v4, vm0, $0xb8;
	[tilespmem:$0x10080] =	vst v63  }
0x63: {  	s19 =	simm.s32 $0xD880  }
0x64: {  	[tilespmem:s19], [sflag:$0x1] =	stream.indirect_vreg.gather [hbm4b:s6+s2], $0x80, v4, vm0, $0xb8;
	[tilespmem:$0x10080] =	vst v63  }
0x65: {  	s19 =	simm.s32 $0xE080  }
0x66: {  	[tilespmem:s19], [sflag:$0x1] =	stream.indirect_vreg.gather [hbm4b:s3+s2], $0x80, v3, vm0, $0xb8;
	[tilespmem:$0x10080] =	vst v63  }
0x67: {  	s19 =	simm.s32 $0xE880  }
0x68: {  	[tilespmem:s19], [sflag:$0x1] =	stream.indirect_vreg.gather [hbm4b:s4+s2], $0x80, v3, vm0, $0xb8;
	[tilespmem:$0x10080] =	vst v63  }
0x69: {  	s19 =	simm.s32 $0xF080  }
0x6a: {  	[tilespmem:s19], [sflag:$0x1] =	stream.indirect_vreg.gather [hbm4b:s5+s2], $0x80, v3, vm0, $0xb8;
	[tilespmem:$0x10080] =	vst v63  }
0x6b: {  	s19 =	simm.s32 $0xF880  }
0x6c: {  	[tilespmem:s19], [sflag:$0x1] =	stream.indirect_vreg.gather [hbm4b:s6+s2], $0x80, v3, vm0, $0xb8;
	[tilespmem:$0x10080] =	vst v63  }
0x6d: {  	_ =	swait.ge [sflag:s18], $0x10000  }
0x6e: {  	[sflag:s18] =	ssyncset.done $0x0  }
0x6f: {  	s19 =	rddreg [dreg:$0x3];
	[sflag:s18] =	ssyncadd.s32 $0xFFFF0000  }
0x70: {  	[hbm4b:s19+s2] =	stream.linear.scatter [tilespmem:s0], [sflag:$0x2], $0x10000, $0x38;
	[tilespmem:$0x10080] =	vst v63  }
0x71: {  	_ =	swait.ge [sflag:s8], $0x10000  }
0x72: {  	[sflag:s8] =	ssyncset.done $0x0  }
0x73: {  	s19 =	rddreg [dreg:$0x4];
	[sflag:s8] =	ssyncadd.s32 $0xFFFF0000  }
0x74: {  	[tilespmem:s2], [sflag:$0x2] =	stream.linear.gather [hbm4b:s19+s2], $0x40, $0x38;
	[tilespmem:$0x10080] =	vst v63  }
0x75: {  	_ =	swait.ge [sflag:s8], $0x40  }
0x76: {  	[sflag:s8] =	ssyncset.done $0x0  }
0x77: {  	[sflag:s8] =	ssyncadd.s32 $0xFFFFFFC0  }
0x78: {  	v3 =	vld [tilespmem:$0x0];
	_ =	sdelay $0x4  }
0x79: {  	v60 =	vshll.u32 v3, $0x3  }
0x7a: {  	v3 =	vand.u32 $0x7, v3;
	v4 =	vand.u32 $0xFFFFFFC0, v60  }
0x7b: {  	v3 =	vor.u32 v3, v4  }
0x7c: {  	v4 =	vperm.xlane v3, v0;
	_ =	sdelay $0x1  }
0x7d: {  	v4 =	vadd.s32 v1, v4;
	_ =	sdelay $0x4  }
0x7e: {  	[tilespmem:s0], [sflag:$0x1] =	stream.indirect_vreg.gather [hbm4b:s3+s2], $0x80, v4, vm0, $0xb8;
	[tilespmem:$0x10080] =	vst v63  }
0x7f: {  	v3 =	vperm.xlane v3, v2  }
0x80: {  	[tilespmem:s20], [sflag:$0x1] =	stream.indirect_vreg.gather [hbm4b:s4+s2], $0x80, v4, vm0, $0xb8;
	[tilespmem:$0x10080] =	vst v63  }
0x81: {  	v3 =	vadd.s32 v1, v3  }
0x82: {  	[tilespmem:s21], [sflag:$0x1] =	stream.indirect_vreg.gather [hbm4b:s5+s2], $0x80, v4, vm0, $0xb8;
	[tilespmem:$0x10080] =	vst v63  }
0x83: {  	_ = 	snop  }
0x84: {  	[tilespmem:s22], [sflag:$0x1] =	stream.indirect_vreg.gather [hbm4b:s6+s2], $0x80, v4, vm0, $0xb8;
	[tilespmem:$0x10080] =	vst v63  }
0x85: {  	_ = 	snop  }
0x86: {  	[tilespmem:s23], [sflag:$0x1] =	stream.indirect_vreg.gather [hbm4b:s3+s2], $0x80, v3, vm0, $0xb8;
	[tilespmem:$0x10080] =	vst v63  }
0x87: {  	_ = 	snop  }
0x88: {  	[tilespmem:s24], [sflag:$0x1] =	stream.indirect_vreg.gather [hbm4b:s4+s2], $0x80, v3, vm0, $0xb8;
	[tilespmem:$0x10080] =	vst v63  }
0x89: {  	_ = 	snop  }
0x8a: {  	[tilespmem:s25], [sflag:$0x1] =	stream.indirect_vreg.gather [hbm4b:s5+s2], $0x80, v3, vm0, $0xb8;
	[tilespmem:$0x10080] =	vst v63  }
0x8b: {  	_ = 	snop  }
0x8c: {  	[tilespmem:s26], [sflag:$0x1] =	stream.indirect_vreg.gather [hbm4b:s6+s2], $0x80, v3, vm0, $0xb8;
	[tilespmem:$0x10080] =	vst v63  }
0x8d: {  	v3 =	vld [tilespmem:$0x10];
	_ =	sdelay $0x4  }
0x8e: {  	v61 =	vshll.u32 v3, $0x3  }
0x8f: {  	v3 =	vand.u32 $0x7, v3;
	v4 =	vand.u32 $0xFFFFFFC0, v61  }
0x90: {  	v3 =	vor.u32 v3, v4  }
0x91: {  	v4 =	vperm.xlane v3, v0;
	_ =	sdelay $0x1  }
0x92: {  	v4 =	vadd.s32 v1, v4;
	_ =	sdelay $0x4  }
0x93: {  	[tilespmem:s28], [sflag:$0x1] =	stream.indirect_vreg.gather [hbm4b:s3+s2], $0x80, v4, vm0, $0xb8;
	[tilespmem:$0x10080] =	vst v63  }
0x94: {  	v3 =	vperm.xlane v3, v2  }
0x95: {  	[tilespmem:s29], [sflag:$0x1] =	stream.indirect_vreg.gather [hbm4b:s4+s2], $0x80, v4, vm0, $0xb8;
	[tilespmem:$0x10080] =	vst v63  }
0x96: {  	v3 =	vadd.s32 v1, v3  }
0x97: {  	[tilespmem:s30], [sflag:$0x1] =	stream.indirect_vreg.gather [hbm4b:s5+s2], $0x80, v4, vm0, $0xb8;
	[tilespmem:$0x10080] =	vst v63  }
0x98: {  	_ = 	snop  }
0x99: {  	[tilespmem:s31], [sflag:$0x1] =	stream.indirect_vreg.gather [hbm4b:s6+s2], $0x80, v4, vm0, $0xb8;
	[tilespmem:$0x10080] =	vst v63  }
0x9a: {  	_ = 	snop  }
0x9b: {  	[tilespmem:s1], [sflag:$0x1] =	stream.indirect_vreg.gather [hbm4b:s3+s2], $0x80, v3, vm0, $0xb8;
	[tilespmem:$0x10080] =	vst v63  }
0x9c: {  	s19 =	simm.s32 $0x6880  }
0x9d: {  	[tilespmem:s19], [sflag:$0x1] =	stream.indirect_vreg.gather [hbm4b:s4+s2], $0x80, v3, vm0, $0xb8;
	[tilespmem:$0x10080] =	vst v63  }
0x9e: {  	_ = 	snop  }
0x9f: {  	[tilespmem:s10], [sflag:$0x1] =	stream.indirect_vreg.gather [hbm4b:s5+s2], $0x80, v3, vm0, $0xb8;
	[tilespmem:$0x10080] =	vst v63  }
0xa0: {  	_ = 	snop  }
0xa1: {  	[tilespmem:s11], [sflag:$0x1] =	stream.indirect_vreg.gather [hbm4b:s6+s2], $0x80, v3, vm0, $0xb8;
	[tilespmem:$0x10080] =	vst v63  }
0xa2: {  	v3 =	vld [tilespmem:$0x20];
	_ =	sdelay $0x4  }
0xa3: {  	v62 =	vshll.u32 v3, $0x3  }
0xa4: {  	v3 =	vand.u32 $0x7, v3;
	v4 =	vand.u32 $0xFFFFFFC0, v62  }
0xa5: {  	v3 =	vor.u32 v3, v4  }
0xa6: {  	v4 =	vperm.xlane v3, v0;
	_ =	sdelay $0x1  }
0xa7: {  	v4 =	vadd.s32 v1, v4;
	_ =	sdelay $0x4  }
0xa8: {  	[tilespmem:s12], [sflag:$0x1] =	stream.indirect_vreg.gather [hbm4b:s3+s2], $0x80, v4, vm0, $0xb8;
	[tilespmem:$0x10080] =	vst v63  }
0xa9: {  	v3 =	vperm.xlane v3, v2  }
0xaa: {  	[tilespmem:s13], [sflag:$0x1] =	stream.indirect_vreg.gather [hbm4b:s4+s2], $0x80, v4, vm0, $0xb8;
	[tilespmem:$0x10080] =	vst v63  }
0xab: {  	v3 =	vadd.s32 v1, v3  }
0xac: {  	[tilespmem:s14], [sflag:$0x1] =	stream.indirect_vreg.gather [hbm4b:s5+s2], $0x80, v4, vm0, $0xb8;
	[tilespmem:$0x10080] =	vst v63  }
0xad: {  	_ = 	snop  }
0xae: {  	[tilespmem:s15], [sflag:$0x1] =	stream.indirect_vreg.gather [hbm4b:s6+s2], $0x80, v4, vm0, $0xb8;
	[tilespmem:$0x10080] =	vst v63  }
0xaf: {  	_ = 	snop  }
0xb0: {  	[tilespmem:s16], [sflag:$0x1] =	stream.indirect_vreg.gather [hbm4b:s3+s2], $0x80, v3, vm0, $0xb8;
	[tilespmem:$0x10080] =	vst v63  }
0xb1: {  	_ = 	snop  }
0xb2: {  	[tilespmem:s17], [sflag:$0x1] =	stream.indirect_vreg.gather [hbm4b:s4+s2], $0x80, v3, vm0, $0xb8;
	[tilespmem:$0x10080] =	vst v63  }
0xb3: {  	_ = 	snop  }
0xb4: {  	[tilespmem:s9], [sflag:$0x1] =	stream.indirect_vreg.gather [hbm4b:s5+s2], $0x80, v3, vm0, $0xb8;
	[tilespmem:$0x10080] =	vst v63  }
0xb5: {  	s19 =	simm.s32 $0xB880  }
0xb6: {  	[tilespmem:s19], [sflag:$0x1] =	stream.indirect_vreg.gather [hbm4b:s6+s2], $0x80, v3, vm0, $0xb8;
	[tilespmem:$0x10080] =	vst v63  }
0xb7: {  	v3 =	vld [tilespmem:$0x30];
	_ =	sdelay $0x4  }
0xb8: {  	v63 =	vshll.u32 v3, $0x3  }
0xb9: {  	v3 =	vand.u32 $0x7, v3;
	v4 =	vand.u32 $0xFFFFFFC0, v63  }
0xba: {  	v3 =	vor.u32 v3, v4  }
0xbb: {  	v4 =	vperm.xlane v3, v0;
	_ =	sdelay $0x1  }
0xbc: {  	v4 =	vadd.s32 v1, v4;
	_ =	sdelay $0x3  }
0xbd: {  	s9 =	simm.s32 $0xC080  }
0xbe: {  	[tilespmem:s9], [sflag:$0x1] =	stream.indirect_vreg.gather [hbm4b:s3+s2], $0x80, v4, vm0, $0xb8;
	[tilespmem:$0x10080] =	vst v63  }
0xbf: {  	s19 =	simm.s32 $0xC880;
	v3 =	vperm.xlane v3, v2  }
0xc0: {  	[tilespmem:s19], [sflag:$0x1] =	stream.indirect_vreg.gather [hbm4b:s4+s2], $0x80, v4, vm0, $0xb8;
	[tilespmem:$0x10080] =	vst v63  }
0xc1: {  	v3 =	vadd.s32 v1, v3;
	s9 =	simm.s32 $0xD080  }
0xc2: {  	[tilespmem:s9], [sflag:$0x1] =	stream.indirect_vreg.gather [hbm4b:s5+s2], $0x80, v4, vm0, $0xb8;
	[tilespmem:$0x10080] =	vst v63  }
0xc3: {  	s19 =	simm.s32 $0xD880  }
0xc4: {  	[tilespmem:s19], [sflag:$0x1] =	stream.indirect_vreg.gather [hbm4b:s6+s2], $0x80, v4, vm0, $0xb8;
	[tilespmem:$0x10080] =	vst v63  }
0xc5: {  	s9 =	simm.s32 $0xE080  }
0xc6: {  	[tilespmem:s9], [sflag:$0x1] =	stream.indirect_vreg.gather [hbm4b:s3+s2], $0x80, v3, vm0, $0xb8;
	[tilespmem:$0x10080] =	vst v63  }
0xc7: {  	s19 =	simm.s32 $0xE880  }
0xc8: {  	[tilespmem:s19], [sflag:$0x1] =	stream.indirect_vreg.gather [hbm4b:s4+s2], $0x80, v3, vm0, $0xb8;
	[tilespmem:$0x10080] =	vst v63  }
0xc9: {  	s9 =	simm.s32 $0xF080  }
0xca: {  	[tilespmem:s9], [sflag:$0x1] =	stream.indirect_vreg.gather [hbm4b:s5+s2], $0x80, v3, vm0, $0xb8;
	[tilespmem:$0x10080] =	vst v63  }
0xcb: {  	s19 =	simm.s32 $0xF880  }
0xcc: {  	[tilespmem:s19], [sflag:$0x1] =	stream.indirect_vreg.gather [hbm4b:s6+s2], $0x80, v3, vm0, $0xb8;
	[tilespmem:$0x10080] =	vst v63  }
0xcd: {  	_ =	swait.ge [sflag:s18], $0x10000  }
0xce: {  	p0 =	sne.s32 s7, $0x1;
	[sflag:s18] =	ssyncset.done $0x0  }
.Ltmp0:
0xcf: {  	s9 =	rddreg [dreg:$0x5];
	[sflag:s18] =	ssyncadd.s32 $0xFFFF0000;
	(pc) =	sbr.rel @p0 .LBB2_1-.Ltmp0, $4  }
0xd0: {  	[hbm4b:s9+s2] =	stream.linear.scatter [tilespmem:s0], [sflag:$0x2], $0x10000, $0x38;
	[tilespmem:$0x10080] =	vst v63  }
0xd1: {  	_ =	swait.ge [sflag:s8], $0x10000  }
0xd2: {  	[sflag:s8] =	ssyncset.done $0x0  }
0xd3: {  	s7 =	sadd.s32 $0xFFFFFFFF, s7;
	[sflag:s8] =	ssyncadd.s32 $0xFFFF0000  }
0xd4: {  	_ =	sfence.sel $0x180000  }
0xd5: {  	[bflag:$0x0] =	sbarrier.arrive $0xFFFF  }
0xd6: {  	_ =	strace $0x9000004A  }
0xd7: {  	s0 =	stileid.u32;
	[bflag:$0x2] =	sbarrier.arrive $0xFFFF  }
0xd8: {  	p0 =	sne.s32 s0, $0x0;
	s0 =	rddreg [dreg:$0x1]  }
0xd9: {  	s0 =	sadd.s32 @!p0 $0x100000, s0  }
0xda: {  	[sflag:s0] =	ssyncadd.tile.s32 @!p0 $0x1;
	_ =	shalt  }
.Lfunc_end2:
_tile_overlayer_lowered:
.L_overlay_start_2:
0xdb: {  	(tag) =	ssettag $0x2  }
0xdc: {  	s0 =	rddreg [dreg:$0x0];
	s2 =	stileid.u32  }
0xdd: {  	s1 =	rddreg [dreg:$0x1];
	p0 =	sne.s32 s2, $0x0  }
0xde: {  	s3 =	rddreg [dreg:$0x2];
	[bflag:$0x3] =	sbarrier.arrive $0xFFFF;
	s2 =	simm.s32 @!p0 $0x1C02  }
0xdf: {  	[timem:s3], [sflag:s2] =	dma.local @!p0 [hbm:s0], s1  }
0xe0: {  	s0 =	simm.s32 @!p0 $0x2  }
0xe1: {  	_ =	swait.ge @!p0 [sflag:s0], s1  }
0xe2: {  	s1 =	ssub.s32 @!p0 $0x0, s1;
	[sflag:s0] =	ssyncset.done @!p0 $0x0  }
0xe3: {  	[sflag:s0] =	ssyncadd.s32 @!p0 s1  }
0xe4: {  	[bflag:$0x3] =	sbarrier.arrive $0xFFFF  }
0xe5: {  	_ =	shalt  }

// kernel: kernel.7.cloned.1.call-start
scs
__scs_entry_jumppad:
0x0: {  	(pc) =	sbr.rel $0x88, $3  }
0x1: {  	(tag) =	ssettag $0x0;
	lr =	simm.s32 $0x1  }
0x2: {  	[smem:$0x3F99] =	sst lr;
	_ =	strace $0xD0000000  }
0x3: {  	_ = 	snop  }
0x4: {  	_ = 	snop  }
0x5: {  	_ = 	snop  }
0x6: {  	_ = 	snop  }
0x7: {  	_ = 	snop  }
__scs_overlays_trampoline_lowered:
0x8: {  	[smem:$0x3FA8] =	sst s0  }
0x9: {  	[smem:$0x3FA9] =	sst s1  }
0xa: {  	[smem:$0x3FAA] =	sst s2  }
0xb: {  	[smem:$0x3FAB] =	sst s3  }
0xc: {  	[smem:$0x3FAC] =	sst s4  }
0xd: {  	[smem:$0x3FAD] =	sst s5  }
0xe: {  	[smem:$0x3FAE] =	sst s6  }
0xf: {  	[smem:$0x3FAF] =	sst s7  }
0x10: {  	[smem:$0x3FB0] =	sst s8  }
0x11: {  	[smem:$0x3FB1] =	sst s9;
	s0 =	simm.s32 @!p0 $0x0  }
0x12: {  	s1 =	sld [smem:$0x3F97];
	s0 =	simm.s32 @p0 $0x1  }
0x13: {  	[smem:$0x3FB2] =	sst s0;
	s0 =	simm.s32 @!p1 $0x0  }
0x14: {  	s2 =	sld [smem:$0x3F96];
	s0 =	simm.s32 @p1 $0x1  }
0x15: {  	[smem:$0x3FB3] =	sst s0;
	s0 =	simm.s32 @!p2 $0x0  }
0x16: {  	s3 =	sld [smem:$0x3FDB];
	s0 =	simm.s32 @p2 $0x1  }
0x17: {  	s4 =	simm.s32 $0x1BF5;
	[smem:$0x3FB5] =	sst s0  }
0x18: {  	s0 =	sld [smem:$0x3F98];
	_ =	swait.ge [sflag:s4], $0x0  }
0x19: {  	s7 =	sld [smem:$0x3F99]  }
0x1a: {  	s8 =	sadd.s32 $0xFFFFE003, lr  }
0x1b: {  	s9 =	sadd.s32 $0xFFFFFEF7, lr;
	s5 =	simm.s32 $0xFFFFFFFF;
	p2 =	slt.u32 s8, $0xFFFFF086  }
0x1c: {  	p1 =	slt.u32 s9, $0xF7A;
	s5 =	simm.s32 @!p2 $0x0  }
0x1d: {  	s5 =	simm.s32 @p1 $0x1;
	p0 =	seq.s32 s7, s2  }
0x1e: {  	s7 =	smul.u32 @!p0 $0xF7A, s2;
	p2 =	seq.s32 @!p0 s5, $0x0  }
0x1f: {  	s9 =	smul.u32 $0xF7A, s1;
	s8 =	simm.s32 @!p0 $0x1BF5;
	p2 =	por !p2, p0  }
0x20: {  	[sflag:s8] =	ssyncset.s32 @!p0 $0xFFFFF086;
	s6 =	sadd.s32 @!p0 s3, s7;
	s7 =	simm.s32 @!p0 $0x108  }
0x21: {  	s3 =	sadd.s32 s3, s9;
	s6 =	sadd.s32 @!p0 $0x88, s6;
	s7 =	simm.s32 @p2 $0x1082  }
0x22: {  	[simem:s7], [sflag:s8] =	dma.local @!p0 [hbm:s6], $0xF7A  }
0x23: {  	s9 =	sor.u32 $0xD0000000, s2;
	s6 =	simm.s32 $0x108;
	_ =	swait.ge @!p0 [sflag:s8], $0x0  }
0x24: {  	s3 =	sadd.s32 $0x88, s3;
	s6 =	simm.s32 @!p1 $0x1082;
	[sflag:s4] =	ssyncset.s32 $0xFFFFF086  }
0x25: {  	[simem:s6], [sflag:s4] =	dma.local [hbm:s3], $0xF7A  }
0x26: {  	[smem:$0x3F99] =	sst s1;
	(tag) =	ssettag s2;
	_ =	strace s9  }
0x27: {  	s1 =	sld [smem:$0x3FA9]  }
0x28: {  	s2 =	sld [smem:$0x3FAA]  }
0x29: {  	s4 =	sld [smem:$0x3FAC]  }
0x2a: {  	p0 =	seq.s32 s5, $0x0;
	s5 =	sld [smem:$0x3FAD]  }
0x2b: {  	s6 =	sld [smem:$0x3FAE]  }
0x2c: {  	s7 =	sld [smem:$0x3FAF]  }
0x2d: {  	s3 =	simm.s32 $0x108;
	s8 =	sld [smem:$0x3FB0]  }
0x2e: {  	s3 =	simm.s32 @!p0 $0x1082;
	s9 =	sld [smem:$0x3FB1]  }
0x2f: {  	lr =	sadd.s32 s0, s3;
	s0 =	sld [smem:$0x3FA8]  }
0x30: {  	s3 =	sld [smem:$0x3FAB]  }
0x31: {  	[smem:$0x3FB4] =	sst s10  }
0x32: {  	s10 =	sld [smem:$0x3FB2];
	_ =	sdelay $0x3  }
0x33: {  	p0 =	seq.s32 s10, $0x1;
	s10 =	sld [smem:$0x3FB4];
	_ =	sdelay $0x3  }
0x34: {  	[smem:$0x3FB4] =	sst s10  }
0x35: {  	s10 =	sld [smem:$0x3FB3];
	_ =	sdelay $0x3  }
0x36: {  	p1 =	seq.s32 s10, $0x1;
	s10 =	sld [smem:$0x3FB4];
	_ =	sdelay $0x3  }
0x37: {  	[smem:$0x3FB4] =	sst s10  }
0x38: {  	s10 =	sld [smem:$0x3FB5]  }
0x39: {  	_ = 	snop;
	(pc) =	sbr.ind lr, $3  }
0x3a: {  	_ = 	snop  }
0x3b: {  	_ = 	snop  }
0x3c: {  	p2 =	seq.s32 s10, $0x1;
	s10 =	sld [smem:$0x3FB4]  }
0x3d: {  	_ =	shalt  }
0x3e: {  	_ =	shalt  }
0x3f: {  	_ =	shalt  }
0x40: {  	_ =	shalt  }
0x41: {  	_ =	shalt  }
0x42: {  	_ =	shalt  }
0x43: {  	_ =	shalt  }
0x44: {  	_ =	shalt  }
0x45: {  	_ =	shalt  }
0x46: {  	_ =	shalt  }
0x47: {  	_ =	shalt  }
0x48: {  	_ =	shalt  }
0x49: {  	_ =	shalt  }
0x4a: {  	_ =	shalt  }
0x4b: {  	_ =	shalt  }
0x4c: {  	_ =	shalt  }
0x4d: {  	_ =	shalt  }
0x4e: {  	_ =	shalt  }
0x4f: {  	_ =	shalt  }
0x50: {  	_ =	shalt  }
0x51: {  	_ =	shalt  }
0x52: {  	_ =	shalt  }
0x53: {  	_ =	shalt  }
0x54: {  	_ =	shalt  }
0x55: {  	_ =	shalt  }
0x56: {  	_ =	shalt  }
0x57: {  	_ =	shalt  }
0x58: {  	_ =	shalt  }
0x59: {  	_ =	shalt  }
0x5a: {  	_ =	shalt  }
0x5b: {  	_ =	shalt  }
0x5c: {  	_ =	shalt  }
0x5d: {  	_ =	shalt  }
0x5e: {  	_ =	shalt  }
0x5f: {  	_ =	shalt  }
0x60: {  	_ =	shalt  }
0x61: {  	_ =	shalt  }
0x62: {  	_ =	shalt  }
0x63: {  	_ =	shalt  }
0x64: {  	_ =	shalt  }
0x65: {  	_ =	shalt  }
0x66: {  	_ =	shalt  }
0x67: {  	_ =	shalt  }
0x68: {  	_ =	shalt  }
0x69: {  	_ =	shalt  }
0x6a: {  	_ =	shalt  }
0x6b: {  	_ =	shalt  }
0x6c: {  	_ =	shalt  }
0x6d: {  	_ =	shalt  }
0x6e: {  	_ =	shalt  }
0x6f: {  	_ =	shalt  }
0x70: {  	_ =	shalt  }
0x71: {  	_ =	shalt  }
0x72: {  	_ =	shalt  }
0x73: {  	_ =	shalt  }
0x74: {  	_ =	shalt  }
0x75: {  	_ =	shalt  }
0x76: {  	_ =	shalt  }
0x77: {  	_ =	shalt  }
0x78: {  	_ =	shalt  }
0x79: {  	_ =	shalt  }
0x7a: {  	_ =	shalt  }
0x7b: {  	_ =	shalt  }
0x7c: {  	_ =	shalt  }
0x7d: {  	_ =	shalt  }
0x7e: {  	_ =	shalt  }
0x7f: {  	_ =	shalt  }
0x80: {  	_ =	shalt  }
0x81: {  	_ =	shalt  }
0x82: {  	_ =	shalt  }
0x83: {  	_ =	shalt  }
0x84: {  	_ =	shalt  }
0x85: {  	_ =	shalt  }
0x86: {  	_ =	shalt  }
0x87: {  	_ =	shalt  }
.Lfunc_end0:
.L_simem_size_0:
called_computation_lowered:
.L_overlay_start_0:
0x88: {  	s2 =	sld [smem:$0x3FD9]  }
0x89: {  	s3 =	sld [smem:$0x3FFE];
	_ =	sdelay $0x1  }
0x8a: {  	s1 =	srdreg.scid  }
0x8b: {  	s0 =	sand.u32 $0x1, s1  }
0x8c: {  	s17 =	sshll.u32 s0, $0xA;
	s2 =	sadd.s32 s3, s2  }
0x8d: {  	s2 =	sadd.s32 s2, s17  }
0x8e: {  	[smem:$0x3FC0] =	sst s2  }
0x8f: {  	_ = 	snop  }
0x90: {  	s2 =	sld [smem:$0x3FC9];
	(tm) =	ssettm $0x1  }
0x91: {  	s18 =	sld [smem:$0x3FFB];
	_ =	sdelay $0x3  }
0x92: {  	_ =	strace s18  }
0x93: {  	s3 =	sld [smem:$0x3FFC];
	_ =	sdelay $0x3  }
0x94: {  	_ =	strace s3  }
0x95: {  	s3 =	sld [smem:$0x3FFD];
	_ =	sdelay $0x3  }
0x96: {  	_ =	strace s3  }
0x97: {  	_ =	strace $0x8FFFFFFF  }
0x98: {  	s19 =	sld [smem:$0x3FDB];
	_ =	sdelay $0x1  }
0x99: {  	s4 =	simm.s32 $_scs_section_size  }
0x9a: {  	s5 =	simm.s32 $_size__tile_overlayer_lowered;
	s6 =	simm.s32 $_tile_overlayer_lowered  }
0x9b: {  	s22 =	simm.s32 $0x1BFF;
	s21 =	sshll.u32 s6, $0x1;
	s3 =	sadd.s32 s4, s19  }
0x9c: {  	s7 =	simm.s32 $0x0;
	s20 =	sshll.u32 s5, $0x1;
	s5 =	sadd.s32 s21, s3  }
0x9d: {  	[timem:s7], [sflag:s22] =	dma.local [hbm:s5], s20  }
0x9e: {  	_ =	swait.ge [sflag:s22], s20  }
0x9f: {  	s4 =	ssub.s32 $0x0, s20;
	[sflag:s22] =	ssyncset.done $0x0  }
0xa0: {  	[sflag:s22] =	ssyncadd.s32 s4;
	_ =	sdelay $0x1  }
0xa1: {  	s23 =	simm.s32 $0x1B8B  }
0xa2: {  	_ =	swait.ge [sflag:s23], $0x1  }
0xa3: {  	[sflag:s23] =	ssyncset.done $0x0  }
0xa4: {  	s25 =	simm.s32 $0x1B8E;
	s24 =	sld [smem:$0x3FFE];
	[sflag:s23] =	ssyncadd.s32 $0xFFFFFFFF  }
0xa5: {  	s26 =	simm.s32 $execute0_lowered;
	[smem:$0x3FD2] =	sst s25  }
0xa6: {  	s5 =	sshll.u32 s26, $0x1;
	_ =	strace $0x80000046;
	[dreg:$0x1] =	wrdreg $0xFFFFFFFF  }
0xa7: {  	s28 =	simm.s32 $_size_execute0_lowered;
	s3 =	sadd.s32 s3, s5;
	[dreg:$0x0] =	wrdreg $0x0  }
0xa8: {  	s5 =	sshll.u32 s28, $0x1;
	[dreg:$0x2] =	wrdreg s3  }
0xa9: {  	[dreg:$0x3] =	wrdreg s5  }
0xaa: {  	[dreg:$0x4] =	wrdreg $0xC0  }
0xab: {  	_ =	task [dreg:s7], $0x5FFFF  }
0xac: {  	[dreg:$0x1] =	wrdreg $0xFFFFFFFF  }
0xad: {  	[dreg:$0x0] =	wrdreg $0x60  }
0xae: {  	[dreg:$0x2] =	wrdreg s24  }
0xaf: {  	[dreg:$0x3] =	wrdreg s2  }
0xb0: {  	[dreg:$0x4] =	wrdreg $0x28000  }
0xb1: {  	[dreg:$0x5] =	wrdreg $0x9  }
0xb2: {  	_ =	task.clear_ibuf [dreg:s7], $0x6FFFF;
	_ =	strace $0x90000046  }
0xb3: {  	s29 =	simm.s32 $0x9;
	_ =	strace $0x80000048  }
0xb4: {  	_ =	swait.ge [sflag:s29], $0x1  }
0xb5: {  	[sflag:s29] =	ssyncadd.s32 $0xFFFFFFFF  }
0xb6: {  	_ =	strace $0x90000048  }
0xb7: {  	_ =	sfence  }
0xb8: {  	s30 =	sld [smem:$0x0];
	_ =	sdelay $0x2  }
0xb9: {  	s31 =	sshll.u32 s1, $0xD;
	s1 =	sshrl.u32 s1, $0x2  }
0xba: {  	s3 =	sand.u32 $0x4000, s31;
	s1 =	sadd.s32 s1, s30  }
0xbb: {  	s0 =	sor.u32 s3, s0;
	s1 =	sshll.u32 s1, $0x11  }
0xbc: {  	s0 =	sor.u32 s1, s0  }
0xbd: {  	s0 =	sadd.s32 $0x8F2B, s0  }
0xbe: {  	[sflag:s0] =	ssyncadd.remote.s32 $0x1  }
0xbf: {  	_ =	sfence.sel $0xFFFF  }
0xc0: {  	[dreg:$0x0] =	wrdreg $0xFFFFFFFF;
	(pc) =	sbr.abs _section_cstart, $3  }
0xc1: {  	[dreg:$0x1] =	wrdreg $0xFFFFFFFF  }
0xc2: {  	_ =	task.clear_ibuf [dreg:s7], $0x2FFFF;
	_ =	strace $0x9FFFFFFF  }
0xc3: {  	(tm) =	ssettm $0x7FFFFFFF  }
tec
execute0_lowered:
.L_overlay_start_1:
0x0: {  	(tag) =	ssettag $0x1  }
0x1: {  	s0 =	rddreg [dreg:$0x0]  }
0x2: {  	s1 =	rddreg [dreg:$0x1]  }
0x3: {  	s14 =	rddreg [dreg:$0x2]  }
0x4: {  	s3 =	simm.s32 $0x0;
	s2 =	srdreg.scid;
	s4 =	stileid.u32  }
0x5: {  	s18 =	simm.s32 $0x2980;
	s15 =	simm.s32 $0x16200;
	s16 =	simm.s32 $0x17A00  }
0x6: {  	s28 =	simm.s32 $0x18200;
	s29 =	simm.s32 $0x18A00;
	s30 =	simm.s32 $0x19200  }
0x7: {  	s31 =	simm.s32 $0x19A00;
	[smem:$0x7FF] =	sst s3;
	s5 =	sadd.s32 $0xB200, s0  }
0x8: {  	s2 =	sand.u32 $0x1, s2;
	s19 =	sshll.u32 s4, $0x1;
	s6 =	sadd.s32 $0xB000, s0  }
0x9: {  	s21 =	sadd.s32 $0x2A00, s0;
	s9 =	sadd.s32 $0xB400, s0;
	s8 =	sadd.s32 $0x2E04, s0  }
0xa: {  	s10 =	sadd.s32 $0x100, s1;
	s11 =	sadd.s32 $0x200, s1;
	s12 =	sadd.s32 $0x300, s1  }
0xb: {  	p0 =	sne.s32 s4, $0x0;
	_ =	strace $0x80000047;
	[dreg:$0x4] =	wrdreg s5  }
0xc: {  	s4 =	simm.s32 $0x0;
	[dreg:$0x5] =	wrdreg s6;
	s20 =	ssub.s32 $0x2, s2  }
0xd: {  	s2 =	sor.u32 s2, s19;
	[dreg:$0x6] =	wrdreg s21;
	s19 =	simm.s32 $0x2  }
0xe: {  	s21 =	simm.s32 $0x14200;
	s22 =	sshrl.u32 s20, $0x1;
	s7 =	smul.u32 $0xC0, s2  }
0xf: {  	s24 =	smul.u32 $0x6000, s2;
	s2 =	simm.s32 $0x1;
	s5 =	ssub.s32 s20, s22  }
0x10: {  	s20 =	simm.s32 $0x1000;
	s22 =	simm.s32 $0x2A00;
	s23 =	sadd.s32 s7, s14  }
0x11: {  	s13 =	sadd.s32 $0x60, s7;
	s0 =	sadd.s32 s9, s24;
	s17 =	smax.u32 s5, $0x1  }
.Ltmp0:
0x12: {  	s24 =	simm.s32 $0x15A00;
	[dreg:$0x7] =	wrdreg s23;
	(pc) =	sbr.rel .LBB2_1-.Ltmp0, $4  }
0x13: {  	[dreg:$0x8] =	wrdreg s0;
	s25 =	sadd.s32 s13, s14;
	s26 =	sshll.u32 s13, $0x7  }
0x14: {  	v0 =	vlaneseq.u32;
	s23 =	simm.s32 $0x14A00;
	s14 =	simm.s32 $0x15200;
	[dreg:$0x9] =	wrdreg s25  }
0x15: {  	vm0 =	vmmov $0xffff;
	v2 =	vshrl.u32 v0, $0x3;
	s0 =	sadd.s32 s9, s26;
	s9 =	simm.s32 $0x1AA00;
	s25 =	simm.s32 $0x16A00  }
0x16: {  	v1 =	vand.u32 $0x7, v0;
	v3 =	vor.u32 $0x8, v0;
	v2 =	vmul.u32 $0x8, v2;
	s26 =	simm.s32 $0x17200;
	[dreg:$0xa] =	wrdreg s0;
	s0 =	simm.s32 $0x1A200  }
.LBB2_9:
0x17: {  	s4 =	sadd.s32 $0x1, s4  }
0x18: {  	p1 =	sne.s32 s4, s17  }
.Ltmp1:
0x19: {  	_ = 	snop;
	(pc) =	sbr.rel @!p1 .LBB2_10-.Ltmp1, $1  }
0x1a: {  	_ =	sdelay $0x3  }
.LBB2_1:
0x1b: {  	[tilespmem:s9], [sflag:$0x2] =	stream.linear.gather [hbm4b:s8+s3], $0x10, $0x38;
	[tilespmem:$0x1AA80] =	vst v63  }
0x1c: {  	_ =	swait.ge [sflag:s19], $0x10  }
0x1d: {  	[sflag:s19] =	ssyncset.done $0x0  }
0x1e: {  	[sflag:s19] =	ssyncadd.s32 $0xFFFFFFF0  }
0x1f: {  	v4 =	vld [tilespmem:$0x1AA00];
	_ =	sdelay $0x4  }
0x20: {  	v4 =	vxor.u32 $0x80000000, v4  }
0x21: {  	(xrf0) =	vmax.scan.msk.u32 $0xffff, v4;
	_ =	sdelay $0x5  }
0x22: {  	v4, _, _ =	vpop (xrf0)  }
0x23: {  	(v2sf) =	vpush v4, $0xF;
	_ =	sdelay $0xa  }
.Ltmp2:
0x24: {  	_ = 	snop;
	(pc) =	sbr.rel @p0 .LBB2_5-.Ltmp2, $2  }
0x25: {  	_ =	sdelay $0x2  }
0x26: {  	s5 =	spop (v2sf)  }
0x27: {  	s6 =	simm.s32 $0x0;
	s9 =	rddreg [dreg:$0x4]  }
0x28: {  	[tilespmem:s6], [sflag:$0x2] =	stream.linear.gather [hbm4b:s9+s6], $0x800, $0x38;
	[tilespmem:$0x1AA80] =	vst v63  }
0x29: {  	_ =	swait.ge [sflag:s19], $0x800  }
0x2a: {  	[sflag:s19] =	ssyncset.done $0x0  }
0x2b: {  	s9 =	simm.s32 $0x800;
	s18 =	rddreg [dreg:$0x5];
	[sflag:s19] =	ssyncadd.s32 $0xFFFFF800  }
0x2c: {  	[tilespmem:s9], [sflag:$0x2] =	stream.linear.gather [hbm4b:s18+s6], $0x800, $0x38;
	[tilespmem:$0x1AA80] =	vst v63  }
0x2d: {  	_ =	swait.ge [sflag:s19], $0x800  }
0x2e: {  	[sflag:s19] =	ssyncset.done $0x0  }
0x2f: {  	s18 =	rddreg [dreg:$0x6];
	[sflag:s19] =	ssyncadd.s32 $0xFFFFF800  }
0x30: {  	[tilespmem:s20], [sflag:$0x2] =	stream.linear.gather [hbm4b:s18+s6], $0x1800, $0x38;
	[tilespmem:$0x1AA80] =	vst v63  }
0x31: {  	_ =	swait.ge [sflag:s19], $0x1800  }
0x32: {  	[sflag:s19] =	ssyncset.done $0x0  }
0x33: {  	s18 =	simm.s32 $0x0;
	[sflag:s19] =	ssyncadd.s32 $0xFFFFE800  }
.LBB2_3:
0x34: {  	v4 =	vld [tilespmem:s6+$0x0];
	_ =	sdelay $0x6  }
0x35: {  	v5 =	vor.u32 s18, v0  }
0x36: {  	[tilespmem:v4+s20+$0x0] =	vst.idx.msk $0xffff, v5  }
0x37: {  	v4 =	vld [tilespmem:s9+$0x0];
	_ =	sdelay $0x2  }
0x38: {  	p1 =	sne.s32 s18, $0x7F0  }
.Ltmp3:
0x39: {  	_ = 	snop;
	(pc) =	sbr.rel @p1 .LBB2_3-.Ltmp3, $2  }
0x3a: {  	_ =	sdelay $0x2  }
0x3b: {  	s6 =	sadd.s32 $0x10, s6;
	s18 =	sadd.s32 $0x10, s18;
	s9 =	sadd.s32 $0x10, s9;
	[tilespmem:v4+s20+$0x0] =	vst.idx.msk $0xffff, v5  }
0x3c: {  	s6 =	rddreg [dreg:$0x2]  }
0x3d: {  	[spmem:s6] =	stream.linear.scatter [tilespmem:s20], [sflag:$0x2], $0x1800, $0x38;
	[tilespmem:$0x1AA80] =	vst v63  }
0x3e: {  	_ =	swait.ge [sflag:s19], $0x1800  }
0x3f: {  	[sflag:s19] =	ssyncset.done $0x0  }
0x40: {  	s9 =	simm.s32 $0x1AA00;
	s18 =	simm.s32 $0x2980;
	[sflag:s19] =	ssyncadd.s32 $0xFFFFE800  }
.LBB2_5:
0x41: {  	s5 =	sshll.u32 s5, $0x8  }
0x42: {  	p1 =	sge.s32 s7, s5  }
.Ltmp4:
0x43: {  	_ = 	snop;
	(pc) =	sbr.rel @p1 .LBB2_7-.Ltmp4, $2  }
0x44: {  	_ =	sdelay $0x1  }
0x45: {  	[bflag:$0x0] =	sbarrier.arrive $0xFFFF;
	_ =	sdelay $0x1  }
0x46: {  	s6 =	rddreg [dreg:$0x7]  }
0x47: {  	[tilespmem:s18], [sflag:$0x2] =	stream.linear.gather [spmem:s6], $0x60, $0x38;
	[tilespmem:$0x1AA80] =	vst v63  }
0x48: {  	_ =	swait.ge [sflag:s19], $0x60  }
0x49: {  	[sflag:s19] =	ssyncset.done $0x0  }
0x4a: {  	[sflag:s19] =	ssyncadd.s32 $0xFFFFFFA0  }
0x4b: {  	v4 =	vld [tilespmem:$0x2980];
	_ =	sdelay $0x4  }
0x4c: {  	v5 =	vshll.u32 v4, $0x3  }
0x4d: {  	v4 =	vand.u32 $0x7, v4;
	v5 =	vand.u32 $0xFFFFFFC0, v5  }
0x4e: {  	v4 =	vor.u32 v4, v5  }
0x4f: {  	v5 =	vperm.xlane v4, v1;
	_ =	sdelay $0x1  }
0x50: {  	v5 =	vadd.s32 v2, v5;
	_ =	sdelay $0x4  }
0x51: {  	[tilespmem:s22], [sflag:$0x1] =	stream.indirect_vreg.gather [hbm4b:s1+s3], $0x80, v5, vm0, $0xb8;
	[tilespmem:$0x1AA80] =	vst v63  }
0x52: {  	s6 =	simm.s32 $0x3200;
	v4 =	vperm.xlane v4, v3  }
0x53: {  	[tilespmem:s6], [sflag:$0x1] =	stream.indirect_vreg.gather [hbm4b:s10+s3], $0x80, v5, vm0, $0xb8;
	[tilespmem:$0x1AA80] =	vst v63  }
0x54: {  	v4 =	vadd.s32 v2, v4;
	s6 =	simm.s32 $0x3A00  }
0x55: {  	[tilespmem:s6], [sflag:$0x1] =	stream.indirect_vreg.gather [hbm4b:s11+s3], $0x80, v5, vm0, $0xb8;
	[tilespmem:$0x1AA80] =	vst v63  }
0x56: {  	s6 =	simm.s32 $0x4200  }
0x57: {  	[tilespmem:s6], [sflag:$0x1] =	stream.indirect_vreg.gather [hbm4b:s12+s3], $0x80, v5, vm0, $0xb8;
	[tilespmem:$0x1AA80] =	vst v63  }
0x58: {  	s6 =	simm.s32 $0x4A00  }
0x59: {  	[tilespmem:s6], [sflag:$0x1] =	stream.indirect_vreg.gather [hbm4b:s1+s3], $0x80, v4, vm0, $0xb8;
	[tilespmem:$0x1AA80] =	vst v63  }
0x5a: {  	s6 =	simm.s32 $0x5200  }
0x5b: {  	[tilespmem:s6], [sflag:$0x1] =	stream.indirect_vreg.gather [hbm4b:s10+s3], $0x80, v4, vm0, $0xb8;
	[tilespmem:$0x1AA80] =	vst v63  }
0x5c: {  	s6 =	simm.s32 $0x5A00  }
0x5d: {  	[tilespmem:s6], [sflag:$0x1] =	stream.indirect_vreg.gather [hbm4b:s11+s3], $0x80, v4, vm0, $0xb8;
	[tilespmem:$0x1AA80] =	vst v63  }
0x5e: {  	s6 =	simm.s32 $0x6200  }
0x5f: {  	[tilespmem:s6], [sflag:$0x1] =	stream.indirect_vreg.gather [hbm4b:s12+s3], $0x80, v4, vm0, $0xb8;
	[tilespmem:$0x1AA80] =	vst v63  }
0x60: {  	v4 =	vld [tilespmem:$0x2990];
	_ =	sdelay $0x4  }
0x61: {  	v5 =	vshll.u32 v4, $0x3  }
0x62: {  	v4 =	vand.u32 $0x7, v4;
	v5 =	vand.u32 $0xFFFFFFC0, v5  }
0x63: {  	v4 =	vor.u32 v4, v5  }
0x64: {  	v5 =	vperm.xlane v4, v1;
	_ =	sdelay $0x1  }
0x65: {  	v5 =	vadd.s32 v2, v5;
	_ =	sdelay $0x3  }
0x66: {  	s6 =	simm.s32 $0x6A00  }
0x67: {  	[tilespmem:s6], [sflag:$0x1] =	stream.indirect_vreg.gather [hbm4b:s1+s3], $0x80, v5, vm0, $0xb8;
	[tilespmem:$0x1AA80] =	vst v63  }
0x68: {  	v4 =	vperm.xlane v4, v3;
	s6 =	simm.s32 $0x7200  }
0x69: {  	[tilespmem:s6], [sflag:$0x1] =	stream.indirect_vreg.gather [hbm4b:s10+s3], $0x80, v5, vm0, $0xb8;
	[tilespmem:$0x1AA80] =	vst v63  }
0x6a: {  	v4 =	vadd.s32 v2, v4;
	s6 =	simm.s32 $0x7A00  }
0x6b: {  	[tilespmem:s6], [sflag:$0x1] =	stream.indirect_vreg.gather [hbm4b:s11+s3], $0x80, v5, vm0, $0xb8;
	[tilespmem:$0x1AA80] =	vst v63  }
0x6c: {  	s6 =	simm.s32 $0x8200  }
0x6d: {  	[tilespmem:s6], [sflag:$0x1] =	stream.indirect_vreg.gather [hbm4b:s12+s3], $0x80, v5, vm0, $0xb8;
	[tilespmem:$0x1AA80] =	vst v63  }
0x6e: {  	s6 =	simm.s32 $0x8A00  }
0x6f: {  	[tilespmem:s6], [sflag:$0x1] =	stream.indirect_vreg.gather [hbm4b:s1+s3], $0x80, v4, vm0, $0xb8;
	[tilespmem:$0x1AA80] =	vst v63  }
0x70: {  	s6 =	simm.s32 $0x9200  }
0x71: {  	[tilespmem:s6], [sflag:$0x1] =	stream.indirect_vreg.gather [hbm4b:s10+s3], $0x80, v4, vm0, $0xb8;
	[tilespmem:$0x1AA80] =	vst v63  }
0x72: {  	s6 =	simm.s32 $0x9A00  }
0x73: {  	[tilespmem:s6], [sflag:$0x1] =	stream.indirect_vreg.gather [hbm4b:s11+s3], $0x80, v4, vm0, $0xb8;
	[tilespmem:$0x1AA80] =	vst v63  }
0x74: {  	s6 =	simm.s32 $0xA200  }
0x75: {  	[tilespmem:s6], [sflag:$0x1] =	stream.indirect_vreg.gather [hbm4b:s12+s3], $0x80, v4, vm0, $0xb8;
	[tilespmem:$0x1AA80] =	vst v63  }
0x76: {  	v4 =	vld [tilespmem:$0x29A0];
	_ =	sdelay $0x4  }
0x77: {  	v5 =	vshll.u32 v4, $0x3  }
0x78: {  	v4 =	vand.u32 $0x7, v4;
	v5 =	vand.u32 $0xFFFFFFC0, v5  }
0x79: {  	v4 =	vor.u32 v4, v5  }
0x7a: {  	v5 =	vperm.xlane v4, v1;
	_ =	sdelay $0x1  }
0x7b: {  	v5 =	vadd.s32 v2, v5;
	_ =	sdelay $0x3  }
0x7c: {  	s6 =	simm.s32 $0xAA00  }
0x7d: {  	[tilespmem:s6], [sflag:$0x1] =	stream.indirect_vreg.gather [hbm4b:s1+s3], $0x80, v5, vm0, $0xb8;
	[tilespmem:$0x1AA80] =	vst v63  }
0x7e: {  	v4 =	vperm.xlane v4, v3;
	s6 =	simm.s32 $0xB200  }
0x7f: {  	[tilespmem:s6], [sflag:$0x1] =	stream.indirect_vreg.gather [hbm4b:s10+s3], $0x80, v5, vm0, $0xb8;
	[tilespmem:$0x1AA80] =	vst v63  }
0x80: {  	v4 =	vadd.s32 v2, v4;
	s6 =	simm.s32 $0xBA00  }
0x81: {  	[tilespmem:s6], [sflag:$0x1] =	stream.indirect_vreg.gather [hbm4b:s11+s3], $0x80, v5, vm0, $0xb8;
	[tilespmem:$0x1AA80] =	vst v63  }
0x82: {  	s6 =	simm.s32 $0xC200  }
0x83: {  	[tilespmem:s6], [sflag:$0x1] =	stream.indirect_vreg.gather [hbm4b:s12+s3], $0x80, v5, vm0, $0xb8;
	[tilespmem:$0x1AA80] =	vst v63  }
0x84: {  	s6 =	simm.s32 $0xCA00  }
0x85: {  	[tilespmem:s6], [sflag:$0x1] =	stream.indirect_vreg.gather [hbm4b:s1+s3], $0x80, v4, vm0, $0xb8;
	[tilespmem:$0x1AA80] =	vst v63  }
0x86: {  	s6 =	simm.s32 $0xD200  }
0x87: {  	[tilespmem:s6], [sflag:$0x1] =	stream.indirect_vreg.gather [hbm4b:s10+s3], $0x80, v4, vm0, $0xb8;
	[tilespmem:$0x1AA80] =	vst v63  }
0x88: {  	s6 =	simm.s32 $0xDA00  }
0x89: {  	[tilespmem:s6], [sflag:$0x1] =	stream.indirect_vreg.gather [hbm4b:s11+s3], $0x80, v4, vm0, $0xb8;
	[tilespmem:$0x1AA80] =	vst v63  }
0x8a: {  	s6 =	simm.s32 $0xE200  }
0x8b: {  	[tilespmem:s6], [sflag:$0x1] =	stream.indirect_vreg.gather [hbm4b:s12+s3], $0x80, v4, vm0, $0xb8;
	[tilespmem:$0x1AA80] =	vst v63  }
0x8c: {  	v4 =	vld [tilespmem:$0x29B0];
	_ =	sdelay $0x4  }
0x8d: {  	v5 =	vshll.u32 v4, $0x3  }
0x8e: {  	v4 =	vand.u32 $0x7, v4;
	v5 =	vand.u32 $0xFFFFFFC0, v5  }
0x8f: {  	v4 =	vor.u32 v4, v5  }
0x90: {  	v5 =	vperm.xlane v4, v1;
	_ =	sdelay $0x1  }
0x91: {  	v5 =	vadd.s32 v2, v5;
	_ =	sdelay $0x3  }
0x92: {  	s6 =	simm.s32 $0xEA00  }
0x93: {  	[tilespmem:s6], [sflag:$0x1] =	stream.indirect_vreg.gather [hbm4b:s1+s3], $0x80, v5, vm0, $0xb8;
	[tilespmem:$0x1AA80] =	vst v63  }
0x94: {  	v4 =	vperm.xlane v4, v3;
	s6 =	simm.s32 $0xF200  }
0x95: {  	[tilespmem:s6], [sflag:$0x1] =	stream.indirect_vreg.gather [hbm4b:s10+s3], $0x80, v5, vm0, $0xb8;
	[tilespmem:$0x1AA80] =	vst v63  }
0x96: {  	v4 =	vadd.s32 v2, v4;
	s6 =	simm.s32 $0xFA00  }
0x97: {  	[tilespmem:s6], [sflag:$0x1] =	stream.indirect_vreg.gather [hbm4b:s11+s3], $0x80, v5, vm0, $0xb8;
	[tilespmem:$0x1AA80] =	vst v63  }
0x98: {  	s6 =	simm.s32 $0x10200  }
0x99: {  	[tilespmem:s6], [sflag:$0x1] =	stream.indirect_vreg.gather [hbm4b:s12+s3], $0x80, v5, vm0, $0xb8;
	[tilespmem:$0x1AA80] =	vst v63  }
0x9a: {  	s6 =	simm.s32 $0x10A00  }
0x9b: {  	[tilespmem:s6], [sflag:$0x1] =	stream.indirect_vreg.gather [hbm4b:s1+s3], $0x80, v4, vm0, $0xb8;
	[tilespmem:$0x1AA80] =	vst v63  }
0x9c: {  	s6 =	simm.s32 $0x11200  }
0x9d: {  	[tilespmem:s6], [sflag:$0x1] =	stream.indirect_vreg.gather [hbm4b:s10+s3], $0x80, v4, vm0, $0xb8;
	[tilespmem:$0x1AA80] =	vst v63  }
0x9e: {  	s6 =	simm.s32 $0x11A00  }
0x9f: {  	[tilespmem:s6], [sflag:$0x1] =	stream.indirect_vreg.gather [hbm4b:s11+s3], $0x80, v4, vm0, $0xb8;
	[tilespmem:$0x1AA80] =	vst v63  }
0xa0: {  	s6 =	simm.s32 $0x12200  }
0xa1: {  	[tilespmem:s6], [sflag:$0x1] =	stream.indirect_vreg.gather [hbm4b:s12+s3], $0x80, v4, vm0, $0xb8;
	[tilespmem:$0x1AA80] =	vst v63  }
0xa2: {  	v4 =	vld [tilespmem:$0x29C0];
	_ =	sdelay $0x4  }
0xa3: {  	v5 =	vshll.u32 v4, $0x3  }
0xa4: {  	v4 =	vand.u32 $0x7, v4;
	v5 =	vand.u32 $0xFFFFFFC0, v5  }
0xa5: {  	v4 =	vor.u32 v4, v5  }
0xa6: {  	v5 =	vperm.xlane v4, v1;
	_ =	sdelay $0x1  }
0xa7: {  	v5 =	vadd.s32 v2, v5;
	_ =	sdelay $0x3  }
0xa8: {  	s6 =	simm.s32 $0x12A00  }
0xa9: {  	[tilespmem:s6], [sflag:$0x1] =	stream.indirect_vreg.gather [hbm4b:s1+s3], $0x80, v5, vm0, $0xb8;
	[tilespmem:$0x1AA80] =	vst v63  }
0xaa: {  	v4 =	vperm.xlane v4, v3;
	s6 =	simm.s32 $0x13200  }
0xab: {  	[tilespmem:s6], [sflag:$0x1] =	stream.indirect_vreg.gather [hbm4b:s10+s3], $0x80, v5, vm0, $0xb8;
	[tilespmem:$0x1AA80] =	vst v63  }
0xac: {  	v4 =	vadd.s32 v2, v4;
	s6 =	simm.s32 $0x13A00  }
0xad: {  	[tilespmem:s6], [sflag:$0x1] =	stream.indirect_vreg.gather [hbm4b:s11+s3], $0x80, v5, vm0, $0xb8;
	[tilespmem:$0x1AA80] =	vst v63  }
0xae: {  	_ = 	snop  }
0xaf: {  	[tilespmem:s21], [sflag:$0x1] =	stream.indirect_vreg.gather [hbm4b:s12+s3], $0x80, v5, vm0, $0xb8;
	[tilespmem:$0x1AA80] =	vst v63  }
0xb0: {  	_ = 	snop  }
0xb1: {  	[tilespmem:s23], [sflag:$0x1] =	stream.indirect_vreg.gather [hbm4b:s1+s3], $0x80, v4, vm0, $0xb8;
	[tilespmem:$0x1AA80] =	vst v63  }
0xb2: {  	_ = 	snop  }
0xb3: {  	[tilespmem:s14], [sflag:$0x1] =	stream.indirect_vreg.gather [hbm4b:s10+s3], $0x80, v4, vm0, $0xb8;
	[tilespmem:$0x1AA80] =	vst v63  }
0xb4: {  	_ = 	snop  }
0xb5: {  	[tilespmem:s24], [sflag:$0x1] =	stream.indirect_vreg.gather [hbm4b:s11+s3], $0x80, v4, vm0, $0xb8;
	[tilespmem:$0x1AA80] =	vst v63  }
0xb6: {  	_ = 	snop  }
0xb7: {  	[tilespmem:s15], [sflag:$0x1] =	stream.indirect_vreg.gather [hbm4b:s12+s3], $0x80, v4, vm0, $0xb8;
	[tilespmem:$0x1AA80] =	vst v63  }
0xb8: {  	v4 =	vld [tilespmem:$0x29D0];
	_ =	sdelay $0x4  }
0xb9: {  	v5 =	vshll.u32 v4, $0x3  }
0xba: {  	v4 =	vand.u32 $0x7, v4;
	v5 =	vand.u32 $0xFFFFFFC0, v5  }
0xbb: {  	v4 =	vor.u32 v4, v5  }
0xbc: {  	v5 =	vperm.xlane v4, v1;
	_ =	sdelay $0x1  }
0xbd: {  	v5 =	vadd.s32 v2, v5;
	_ =	sdelay $0x4  }
0xbe: {  	[tilespmem:s25], [sflag:$0x1] =	stream.indirect_vreg.gather [hbm4b:s1+s3], $0x80, v5, vm0, $0xb8;
	[tilespmem:$0x1AA80] =	vst v63  }
0xbf: {  	v4 =	vperm.xlane v4, v3  }
0xc0: {  	[tilespmem:s26], [sflag:$0x1] =	stream.indirect_vreg.gather [hbm4b:s10+s3], $0x80, v5, vm0, $0xb8;
	[tilespmem:$0x1AA80] =	vst v63  }
0xc1: {  	v4 =	vadd.s32 v2, v4  }
0xc2: {  	[tilespmem:s16], [sflag:$0x1] =	stream.indirect_vreg.gather [hbm4b:s11+s3], $0x80, v5, vm0, $0xb8;
	[tilespmem:$0x1AA80] =	vst v63  }
0xc3: {  	_ = 	snop  }
0xc4: {  	[tilespmem:s28], [sflag:$0x1] =	stream.indirect_vreg.gather [hbm4b:s12+s3], $0x80, v5, vm0, $0xb8;
	[tilespmem:$0x1AA80] =	vst v63  }
0xc5: {  	_ = 	snop  }
0xc6: {  	[tilespmem:s29], [sflag:$0x1] =	stream.indirect_vreg.gather [hbm4b:s1+s3], $0x80, v4, vm0, $0xb8;
	[tilespmem:$0x1AA80] =	vst v63  }
0xc7: {  	_ = 	snop  }
0xc8: {  	[tilespmem:s30], [sflag:$0x1] =	stream.indirect_vreg.gather [hbm4b:s10+s3], $0x80, v4, vm0, $0xb8;
	[tilespmem:$0x1AA80] =	vst v63  }
0xc9: {  	_ = 	snop  }
0xca: {  	[tilespmem:s31], [sflag:$0x1] =	stream.indirect_vreg.gather [hbm4b:s11+s3], $0x80, v4, vm0, $0xb8;
	[tilespmem:$0x1AA80] =	vst v63  }
0xcb: {  	_ = 	snop  }
0xcc: {  	[tilespmem:s0], [sflag:$0x1] =	stream.indirect_vreg.gather [hbm4b:s12+s3], $0x80, v4, vm0, $0xb8;
	[tilespmem:$0x1AA80] =	vst v63  }
0xcd: {  	_ =	swait.ge [sflag:s2], $0x18000  }
0xce: {  	[sflag:s2] =	ssyncset.done $0x0  }
0xcf: {  	s6 =	rddreg [dreg:$0x8];
	[sflag:s2] =	ssyncadd.s32 $0xFFFE8000  }
0xd0: {  	[hbm4b:s6+s3] =	stream.linear.scatter [tilespmem:s22], [sflag:$0x2], $0x18000, $0x38;
	[tilespmem:$0x1AA80] =	vst v63  }
0xd1: {  	_ =	swait.ge [sflag:s19], $0x18000  }
0xd2: {  	[sflag:s19] =	ssyncset.done $0x0  }
0xd3: {  	[sflag:s19] =	ssyncadd.s32 $0xFFFE8000  }
.LBB2_7:
0xd4: {  	p1 =	sge.s32 s13, s5  }
.Ltmp5:
0xd5: {  	_ = 	snop;
	(pc) =	sbr.rel @p1 .LBB2_9-.Ltmp5, $1  }
0xd6: {  	_ =	sdelay $0x3  }
0xd7: {  	s5 =	rddreg [dreg:$0x9]  }
0xd8: {  	[tilespmem:s18], [sflag:$0x2] =	stream.linear.gather [spmem:s5], $0x60, $0x38;
	[tilespmem:$0x1AA80] =	vst v63  }
0xd9: {  	_ =	swait.ge [sflag:s19], $0x60  }
0xda: {  	[sflag:s19] =	ssyncset.done $0x0  }
0xdb: {  	[sflag:s19] =	ssyncadd.s32 $0xFFFFFFA0  }
0xdc: {  	v4 =	vld [tilespmem:$0x2980];
	_ =	sdelay $0x4  }
0xdd: {  	v5 =	vshll.u32 v4, $0x3  }
0xde: {  	v4 =	vand.u32 $0x7, v4;
	v5 =	vand.u32 $0xFFFFFFC0, v5  }
0xdf: {  	v4 =	vor.u32 v4, v5  }
0xe0: {  	v5 =	vperm.xlane v4, v1;
	_ =	sdelay $0x1  }
0xe1: {  	v5 =	vadd.s32 v2, v5;
	_ =	sdelay $0x4  }
0xe2: {  	[tilespmem:s22], [sflag:$0x1] =	stream.indirect_vreg.gather [hbm4b:s1+s3], $0x80, v5, vm0, $0xb8;
	[tilespmem:$0x1AA80] =	vst v63  }
0xe3: {  	s6 =	simm.s32 $0x3200;
	v4 =	vperm.xlane v4, v3  }
0xe4: {  	[tilespmem:s6], [sflag:$0x1] =	stream.indirect_vreg.gather [hbm4b:s10+s3], $0x80, v5, vm0, $0xb8;
	[tilespmem:$0x1AA80] =	vst v63  }
0xe5: {  	v4 =	vadd.s32 v2, v4;
	s6 =	simm.s32 $0x3A00  }
0xe6: {  	[tilespmem:s6], [sflag:$0x1] =	stream.indirect_vreg.gather [hbm4b:s11+s3], $0x80, v5, vm0, $0xb8;
	[tilespmem:$0x1AA80] =	vst v63  }
0xe7: {  	s6 =	simm.s32 $0x4200  }
0xe8: {  	[tilespmem:s6], [sflag:$0x1] =	stream.indirect_vreg.gather [hbm4b:s12+s3], $0x80, v5, vm0, $0xb8;
	[tilespmem:$0x1AA80] =	vst v63  }
0xe9: {  	s6 =	simm.s32 $0x4A00  }
0xea: {  	[tilespmem:s6], [sflag:$0x1] =	stream.indirect_vreg.gather [hbm4b:s1+s3], $0x80, v4, vm0, $0xb8;
	[tilespmem:$0x1AA80] =	vst v63  }
0xeb: {  	s6 =	simm.s32 $0x5200  }
0xec: {  	[tilespmem:s6], [sflag:$0x1] =	stream.indirect_vreg.gather [hbm4b:s10+s3], $0x80, v4, vm0, $0xb8;
	[tilespmem:$0x1AA80] =	vst v63  }
0xed: {  	s6 =	simm.s32 $0x5A00  }
0xee: {  	[tilespmem:s6], [sflag:$0x1] =	stream.indirect_vreg.gather [hbm4b:s11+s3], $0x80, v4, vm0, $0xb8;
	[tilespmem:$0x1AA80] =	vst v63  }
0xef: {  	s6 =	simm.s32 $0x6200  }
0xf0: {  	[tilespmem:s6], [sflag:$0x1] =	stream.indirect_vreg.gather [hbm4b:s12+s3], $0x80, v4, vm0, $0xb8;
	[tilespmem:$0x1AA80] =	vst v63  }
0xf1: {  	v4 =	vld [tilespmem:$0x2990];
	_ =	sdelay $0x4  }
0xf2: {  	v5 =	vshll.u32 v4, $0x3  }
0xf3: {  	v4 =	vand.u32 $0x7, v4;
	v5 =	vand.u32 $0xFFFFFFC0, v5  }
0xf4: {  	v4 =	vor.u32 v4, v5  }
0xf5: {  	v5 =	vperm.xlane v4, v1;
	_ =	sdelay $0x1  }
0xf6: {  	v5 =	vadd.s32 v2, v5;
	_ =	sdelay $0x3  }
0xf7: {  	s6 =	simm.s32 $0x6A00  }
0xf8: {  	[tilespmem:s6], [sflag:$0x1] =	stream.indirect_vreg.gather [hbm4b:s1+s3], $0x80, v5, vm0, $0xb8;
	[tilespmem:$0x1AA80] =	vst v63  }
0xf9: {  	v4 =	vperm.xlane v4, v3;
	s6 =	simm.s32 $0x7200  }
0xfa: {  	[tilespmem:s6], [sflag:$0x1] =	stream.indirect_vreg.gather [hbm4b:s10+s3], $0x80, v5, vm0, $0xb8;
	[tilespmem:$0x1AA80] =	vst v63  }
0xfb: {  	v4 =	vadd.s32 v2, v4;
	s6 =	simm.s32 $0x7A00  }
0xfc: {  	[tilespmem:s6], [sflag:$0x1] =	stream.indirect_vreg.gather [hbm4b:s11+s3], $0x80, v5, vm0, $0xb8;
	[tilespmem:$0x1AA80] =	vst v63  }
0xfd: {  	s6 =	simm.s32 $0x8200  }
0xfe: {  	[tilespmem:s6], [sflag:$0x1] =	stream.indirect_vreg.gather [hbm4b:s12+s3], $0x80, v5, vm0, $0xb8;
	[tilespmem:$0x1AA80] =	vst v63  }
0xff: {  	s6 =	simm.s32 $0x8A00  }
0x100: {  	[tilespmem:s6], [sflag:$0x1] =	stream.indirect_vreg.gather [hbm4b:s1+s3], $0x80, v4, vm0, $0xb8;
	[tilespmem:$0x1AA80] =	vst v63  }
0x101: {  	s6 =	simm.s32 $0x9200  }
0x102: {  	[tilespmem:s6], [sflag:$0x1] =	stream.indirect_vreg.gather [hbm4b:s10+s3], $0x80, v4, vm0, $0xb8;
	[tilespmem:$0x1AA80] =	vst v63  }
0x103: {  	s6 =	simm.s32 $0x9A00  }
0x104: {  	[tilespmem:s6], [sflag:$0x1] =	stream.indirect_vreg.gather [hbm4b:s11+s3], $0x80, v4, vm0, $0xb8;
	[tilespmem:$0x1AA80] =	vst v63  }
0x105: {  	s6 =	simm.s32 $0xA200  }
0x106: {  	[tilespmem:s6], [sflag:$0x1] =	stream.indirect_vreg.gather [hbm4b:s12+s3], $0x80, v4, vm0, $0xb8;
	[tilespmem:$0x1AA80] =	vst v63  }
0x107: {  	v4 =	vld [tilespmem:$0x29A0];
	_ =	sdelay $0x4  }
0x108: {  	v5 =	vshll.u32 v4, $0x3  }
0x109: {  	v4 =	vand.u32 $0x7, v4;
	v5 =	vand.u32 $0xFFFFFFC0, v5  }
0x10a: {  	v4 =	vor.u32 v4, v5  }
0x10b: {  	v5 =	vperm.xlane v4, v1;
	_ =	sdelay $0x1  }
0x10c: {  	v5 =	vadd.s32 v2, v5;
	_ =	sdelay $0x3  }
0x10d: {  	s6 =	simm.s32 $0xAA00  }
0x10e: {  	[tilespmem:s6], [sflag:$0x1] =	stream.indirect_vreg.gather [hbm4b:s1+s3], $0x80, v5, vm0, $0xb8;
	[tilespmem:$0x1AA80] =	vst v63  }
0x10f: {  	v4 =	vperm.xlane v4, v3;
	s6 =	simm.s32 $0xB200  }
0x110: {  	[tilespmem:s6], [sflag:$0x1] =	stream.indirect_vreg.gather [hbm4b:s10+s3], $0x80, v5, vm0, $0xb8;
	[tilespmem:$0x1AA80] =	vst v63  }
0x111: {  	v4 =	vadd.s32 v2, v4;
	s6 =	simm.s32 $0xBA00  }
0x112: {  	[tilespmem:s6], [sflag:$0x1] =	stream.indirect_vreg.gather [hbm4b:s11+s3], $0x80, v5, vm0, $0xb8;
	[tilespmem:$0x1AA80] =	vst v63  }
0x113: {  	s6 =	simm.s32 $0xC200  }
0x114: {  	[tilespmem:s6], [sflag:$0x1] =	stream.indirect_vreg.gather [hbm4b:s12+s3], $0x80, v5, vm0, $0xb8;
	[tilespmem:$0x1AA80] =	vst v63  }
0x115: {  	s6 =	simm.s32 $0xCA00  }
0x116: {  	[tilespmem:s6], [sflag:$0x1] =	stream.indirect_vreg.gather [hbm4b:s1+s3], $0x80, v4, vm0, $0xb8;
	[tilespmem:$0x1AA80] =	vst v63  }
0x117: {  	s6 =	simm.s32 $0xD200  }
0x118: {  	[tilespmem:s6], [sflag:$0x1] =	stream.indirect_vreg.gather [hbm4b:s10+s3], $0x80, v4, vm0, $0xb8;
	[tilespmem:$0x1AA80] =	vst v63  }
0x119: {  	s6 =	simm.s32 $0xDA00  }
0x11a: {  	[tilespmem:s6], [sflag:$0x1] =	stream.indirect_vreg.gather [hbm4b:s11+s3], $0x80, v4, vm0, $0xb8;
	[tilespmem:$0x1AA80] =	vst v63  }
0x11b: {  	s6 =	simm.s32 $0xE200  }
0x11c: {  	[tilespmem:s6], [sflag:$0x1] =	stream.indirect_vreg.gather [hbm4b:s12+s3], $0x80, v4, vm0, $0xb8;
	[tilespmem:$0x1AA80] =	vst v63  }
0x11d: {  	v4 =	vld [tilespmem:$0x29B0];
	_ =	sdelay $0x4  }
0x11e: {  	v5 =	vshll.u32 v4, $0x3  }
0x11f: {  	v4 =	vand.u32 $0x7, v4;
	v5 =	vand.u32 $0xFFFFFFC0, v5  }
0x120: {  	v4 =	vor.u32 v4, v5  }
0x121: {  	v5 =	vperm.xlane v4, v1;
	_ =	sdelay $0x1  }
0x122: {  	v5 =	vadd.s32 v2, v5;
	_ =	sdelay $0x3  }
0x123: {  	s6 =	simm.s32 $0xEA00  }
0x124: {  	[tilespmem:s6], [sflag:$0x1] =	stream.indirect_vreg.gather [hbm4b:s1+s3], $0x80, v5, vm0, $0xb8;
	[tilespmem:$0x1AA80] =	vst v63  }
0x125: {  	v4 =	vperm.xlane v4, v3;
	s6 =	simm.s32 $0xF200  }
0x126: {  	[tilespmem:s6], [sflag:$0x1] =	stream.indirect_vreg.gather [hbm4b:s10+s3], $0x80, v5, vm0, $0xb8;
	[tilespmem:$0x1AA80] =	vst v63  }
0x127: {  	v4 =	vadd.s32 v2, v4;
	s6 =	simm.s32 $0xFA00  }
0x128: {  	[tilespmem:s6], [sflag:$0x1] =	stream.indirect_vreg.gather [hbm4b:s11+s3], $0x80, v5, vm0, $0xb8;
	[tilespmem:$0x1AA80] =	vst v63  }
0x129: {  	s6 =	simm.s32 $0x10200  }
0x12a: {  	[tilespmem:s6], [sflag:$0x1] =	stream.indirect_vreg.gather [hbm4b:s12+s3], $0x80, v5, vm0, $0xb8;
	[tilespmem:$0x1AA80] =	vst v63  }
0x12b: {  	s6 =	simm.s32 $0x10A00  }
0x12c: {  	[tilespmem:s6], [sflag:$0x1] =	stream.indirect_vreg.gather [hbm4b:s1+s3], $0x80, v4, vm0, $0xb8;
	[tilespmem:$0x1AA80] =	vst v63  }
0x12d: {  	s6 =	simm.s32 $0x11200  }
0x12e: {  	[tilespmem:s6], [sflag:$0x1] =	stream.indirect_vreg.gather [hbm4b:s10+s3], $0x80, v4, vm0, $0xb8;
	[tilespmem:$0x1AA80] =	vst v63  }
0x12f: {  	s6 =	simm.s32 $0x11A00  }
0x130: {  	[tilespmem:s6], [sflag:$0x1] =	stream.indirect_vreg.gather [hbm4b:s11+s3], $0x80, v4, vm0, $0xb8;
	[tilespmem:$0x1AA80] =	vst v63  }
0x131: {  	s6 =	simm.s32 $0x12200  }
0x132: {  	[tilespmem:s6], [sflag:$0x1] =	stream.indirect_vreg.gather [hbm4b:s12+s3], $0x80, v4, vm0, $0xb8;
	[tilespmem:$0x1AA80] =	vst v63  }
0x133: {  	v4 =	vld [tilespmem:$0x29C0];
	_ =	sdelay $0x4  }
0x134: {  	v5 =	vshll.u32 v4, $0x3  }
0x135: {  	v4 =	vand.u32 $0x7, v4;
	v5 =	vand.u32 $0xFFFFFFC0, v5  }
0x136: {  	v4 =	vor.u32 v4, v5  }
0x137: {  	v5 =	vperm.xlane v4, v1;
	_ =	sdelay $0x1  }
0x138: {  	v5 =	vadd.s32 v2, v5;
	_ =	sdelay $0x3  }
0x139: {  	s6 =	simm.s32 $0x12A00  }
0x13a: {  	[tilespmem:s6], [sflag:$0x1] =	stream.indirect_vreg.gather [hbm4b:s1+s3], $0x80, v5, vm0, $0xb8;
	[tilespmem:$0x1AA80] =	vst v63  }
0x13b: {  	v4 =	vperm.xlane v4, v3;
	s6 =	simm.s32 $0x13200  }
0x13c: {  	[tilespmem:s6], [sflag:$0x1] =	stream.indirect_vreg.gather [hbm4b:s10+s3], $0x80, v5, vm0, $0xb8;
	[tilespmem:$0x1AA80] =	vst v63  }
0x13d: {  	v4 =	vadd.s32 v2, v4;
	s6 =	simm.s32 $0x13A00  }
0x13e: {  	[tilespmem:s6], [sflag:$0x1] =	stream.indirect_vreg.gather [hbm4b:s11+s3], $0x80, v5, vm0, $0xb8;
	[tilespmem:$0x1AA80] =	vst v63  }
0x13f: {  	_ = 	snop  }
0x140: {  	[tilespmem:s21], [sflag:$0x1] =	stream.indirect_vreg.gather [hbm4b:s12+s3], $0x80, v5, vm0, $0xb8;
	[tilespmem:$0x1AA80] =	vst v63  }
0x141: {  	_ = 	snop  }
0x142: {  	[tilespmem:s23], [sflag:$0x1] =	stream.indirect_vreg.gather [hbm4b:s1+s3], $0x80, v4, vm0, $0xb8;
	[tilespmem:$0x1AA80] =	vst v63  }
0x143: {  	_ = 	snop  }
0x144: {  	[tilespmem:s14], [sflag:$0x1] =	stream.indirect_vreg.gather [hbm4b:s10+s3], $0x80, v4, vm0, $0xb8;
	[tilespmem:$0x1AA80] =	vst v63  }
0x145: {  	_ = 	snop  }
0x146: {  	[tilespmem:s24], [sflag:$0x1] =	stream.indirect_vreg.gather [hbm4b:s11+s3], $0x80, v4, vm0, $0xb8;
	[tilespmem:$0x1AA80] =	vst v63  }
0x147: {  	_ = 	snop  }
0x148: {  	[tilespmem:s15], [sflag:$0x1] =	stream.indirect_vreg.gather [hbm4b:s12+s3], $0x80, v4, vm0, $0xb8;
	[tilespmem:$0x1AA80] =	vst v63  }
0x149: {  	v4 =	vld [tilespmem:$0x29D0];
	_ =	sdelay $0x4  }
0x14a: {  	v5 =	vshll.u32 v4, $0x3  }
0x14b: {  	v4 =	vand.u32 $0x7, v4;
	v5 =	vand.u32 $0xFFFFFFC0, v5  }
0x14c: {  	v4 =	vor.u32 v4, v5  }
0x14d: {  	v5 =	vperm.xlane v4, v1;
	_ =	sdelay $0x1  }
0x14e: {  	v5 =	vadd.s32 v2, v5;
	_ =	sdelay $0x4  }
0x14f: {  	[tilespmem:s25], [sflag:$0x1] =	stream.indirect_vreg.gather [hbm4b:s1+s3], $0x80, v5, vm0, $0xb8;
	[tilespmem:$0x1AA80] =	vst v63  }
0x150: {  	v4 =	vperm.xlane v4, v3  }
0x151: {  	[tilespmem:s26], [sflag:$0x1] =	stream.indirect_vreg.gather [hbm4b:s10+s3], $0x80, v5, vm0, $0xb8;
	[tilespmem:$0x1AA80] =	vst v63  }
0x152: {  	v4 =	vadd.s32 v2, v4  }
0x153: {  	[tilespmem:s16], [sflag:$0x1] =	stream.indirect_vreg.gather [hbm4b:s11+s3], $0x80, v5, vm0, $0xb8;
	[tilespmem:$0x1AA80] =	vst v63  }
0x154: {  	_ = 	snop  }
0x155: {  	[tilespmem:s28], [sflag:$0x1] =	stream.indirect_vreg.gather [hbm4b:s12+s3], $0x80, v5, vm0, $0xb8;
	[tilespmem:$0x1AA80] =	vst v63  }
0x156: {  	_ = 	snop  }
0x157: {  	[tilespmem:s29], [sflag:$0x1] =	stream.indirect_vreg.gather [hbm4b:s1+s3], $0x80, v4, vm0, $0xb8;
	[tilespmem:$0x1AA80] =	vst v63  }
0x158: {  	_ = 	snop  }
0x159: {  	[tilespmem:s30], [sflag:$0x1] =	stream.indirect_vreg.gather [hbm4b:s10+s3], $0x80, v4, vm0, $0xb8;
	[tilespmem:$0x1AA80] =	vst v63  }
0x15a: {  	_ = 	snop  }
0x15b: {  	[tilespmem:s31], [sflag:$0x1] =	stream.indirect_vreg.gather [hbm4b:s11+s3], $0x80, v4, vm0, $0xb8;
	[tilespmem:$0x1AA80] =	vst v63  }
0x15c: {  	_ = 	snop  }
0x15d: {  	[tilespmem:s0], [sflag:$0x1] =	stream.indirect_vreg.gather [hbm4b:s12+s3], $0x80, v4, vm0, $0xb8;
	[tilespmem:$0x1AA80] =	vst v63  }
0x15e: {  	_ =	swait.ge [sflag:s2], $0x18000  }
0x15f: {  	[sflag:s2] =	ssyncset.done $0x0  }
.Ltmp6:
0x160: {  	s6 =	rddreg [dreg:$0xa];
	[sflag:s2] =	ssyncadd.s32 $0xFFFE8000;
	(pc) =	sbr.rel .LBB2_9-.Ltmp6, $4  }
0x161: {  	[hbm4b:s6+s3] =	stream.linear.scatter [tilespmem:s22], [sflag:$0x2], $0x18000, $0x38;
	[tilespmem:$0x1AA80] =	vst v63  }
0x162: {  	_ =	swait.ge [sflag:s19], $0x18000  }
0x163: {  	[sflag:s19] =	ssyncset.done $0x0  }
0x164: {  	[sflag:s19] =	ssyncadd.s32 $0xFFFE8000  }
.LBB2_10:
0x165: {  	_ =	sfence.sel $0x180000  }
0x166: {  	[bflag:$0x0] =	sbarrier.arrive $0xFFFF  }
0x167: {  	_ =	strace $0x90000047  }
0x168: {  	[bflag:$0x2] =	sbarrier.arrive $0xFFFF  }
0x169: {  	s0 =	rddreg [dreg:$0x3]  }
0x16a: {  	s0 =	sadd.s32 @!p0 $0x100000, s0  }
0x16b: {  	[sflag:s0] =	ssyncadd.tile.s32 @!p0 $0x1;
	_ =	shalt  }
.Lfunc_end2:
_tile_overlayer_lowered:
.L_overlay_start_2:
0x16c: {  	(tag) =	ssettag $0x2  }
0x16d: {  	s0 =	rddreg [dreg:$0x0];
	s2 =	stileid.u32  }
0x16e: {  	s1 =	rddreg [dreg:$0x1];
	p0 =	sne.s32 s2, $0x0  }
0x16f: {  	s3 =	rddreg [dreg:$0x2];
	[bflag:$0x3] =	sbarrier.arrive $0xFFFF;
	s2 =	simm.s32 @!p0 $0x1C02  }
0x170: {  	[timem:s3], [sflag:s2] =	dma.local @!p0 [hbm:s0], s1  }
0x171: {  	s0 =	simm.s32 @!p0 $0x2  }
0x172: {  	_ =	swait.ge @!p0 [sflag:s0], s1  }
0x173: {  	s1 =	ssub.s32 @!p0 $0x0, s1;
	[sflag:s0] =	ssyncset.done @!p0 $0x0  }
0x174: {  	[sflag:s0] =	ssyncadd.s32 @!p0 s1  }
0x175: {  	[bflag:$0x3] =	sbarrier.arrive $0xFFFF  }
0x176: {  	_ =	shalt  }

</sc_bundles>
